<compile_context>
chip_gen: v7x
topology: tpu7x:2x2x1
jax: 0.10.2.dev20260603
libtpu: 0.0.44.dev20260713+nightly
codegen_flags: <defaults>
</compile_context>

<pallas_src>
import functools

import jax
import jax.numpy as jnp
from jax import lax
from jax.experimental import pallas as pl
from jax.experimental.pallas import tpu as pltpu
from jax.experimental.pallas import tpu_sc as plsc

NUM_CORES = 2
NUM_SUBCORES = 16
NUM_TILES = NUM_CORES * NUM_SUBCORES

NV, D = 100000, 128
NF = 200000
NF_PAD = 204800
FACES_PER_TILE = NF_PAD // NUM_TILES
CHUNK_FACES = 64
N_CHUNKS = FACES_PER_TILE // CHUNK_FACES
ROWS_PER_CHUNK = 3 * CHUNK_FACES
GATHERS_PER_CHUNK = 2
GATHER_ROWS = ROWS_PER_CHUNK // GATHERS_PER_CHUNK
IDX_PER_TILE = 3 * FACES_PER_TILE
IDX_STAGE = IDX_PER_TILE + 2 * ROWS_PER_CHUNK
IDX_HBM_LEN = (NUM_TILES - 1) * IDX_PER_TILE + IDX_STAGE
LANES = 16
GROUPS = D // LANES

_sc_mesh = plsc.VectorSubcoreMesh(core_axis_name="c", subcore_axis_name="s")


@functools.partial(
    pl.kernel,
    mesh=_sc_mesh,
    out_type=jax.ShapeDtypeStruct((NF_PAD, 3 * LANES), jnp.float32),
    scratch_types=[
        pltpu.VMEM((IDX_STAGE,), jnp.int32),
        pltpu.VMEM((ROWS_PER_CHUNK, D), jnp.float32),
        pltpu.VMEM((ROWS_PER_CHUNK, D), jnp.float32),
        pltpu.VMEM((CHUNK_FACES, 3 * LANES), jnp.float32),
        pltpu.VMEM((CHUNK_FACES, 3 * LANES), jnp.float32),
        pltpu.SemaphoreType.DMA,
        pltpu.SemaphoreType.DMA,
        pltpu.SemaphoreType.DMA,
        pltpu.SemaphoreType.DMA,
    ],
)
def _sc_pair_partials(table_hbm, idx_hbm, out_hbm, idx_v, rows_v0, rows_v1,
                      out_v0, out_v1, sg0, sg1, so0, so1):
    wid = lax.axis_index("s") * NUM_CORES + lax.axis_index("c")
    pltpu.sync_copy(idx_hbm.at[pl.ds(wid * IDX_PER_TILE, IDX_STAGE)], idx_v)

    def issue_gathers(c, buf, sem):
        for j in range(GATHERS_PER_CHUNK):
            pltpu.async_copy(
                table_hbm.at[
                    idx_v.at[pl.ds(c * ROWS_PER_CHUNK + j * GATHER_ROWS, GATHER_ROWS)]
                ],
                buf.at[pl.ds(j * GATHER_ROWS, GATHER_ROWS)],
                sem,
            )

    def wait_gathers(buf, sem):
        for j in range(GATHERS_PER_CHUNK):
            pltpu.make_async_copy(
                table_hbm.at[idx_v.at[pl.ds(j * GATHER_ROWS, GATHER_ROWS)]],
                buf.at[pl.ds(j * GATHER_ROWS, GATHER_ROWS)],
                sem,
            ).wait()

    def compute_chunk(c, rows_v, out_v, sem_o):
        @plsc.parallel_loop(0, CHUNK_FACES, unroll=2)
        def _face(f):
            r = 3 * f
            zero = jnp.zeros((LANES,), jnp.float32)
            acc01, acc02, acc21 = zero, zero, zero
            for g in range(GROUPS):
                sl = pl.ds(g * LANES, LANES)
                va = rows_v[r, sl]
                vb = rows_v[r + 1, sl]
                vc = rows_v[r + 2, sl]
                d01 = va - vb
                d02 = va - vc
                d21 = vc - vb
                acc01 = acc01 + d01 * d01
                acc02 = acc02 + d02 * d02
                acc21 = acc21 + d21 * d21
            out_v[f, pl.ds(0, LANES)] = acc01
            out_v[f, pl.ds(LANES, LANES)] = acc02
            out_v[f, pl.ds(2 * LANES, LANES)] = acc21

        out_base = wid * FACES_PER_TILE + c * CHUNK_FACES
        pltpu.async_copy(out_v, out_hbm.at[pl.ds(out_base, CHUNK_FACES)], sem_o)

    def wait_out(out_v, sem_o):
        pltpu.make_async_copy(
            out_v, out_hbm.at[pl.ds(0, CHUNK_FACES)], sem_o
        ).wait()

    issue_gathers(0, rows_v0, sg0)
    issue_gathers(1, rows_v1, sg1)

    def body(c2, carry):
        c = 2 * c2
        wait_gathers(rows_v0, sg0)

        @pl.when(c2 > 0)
        def _():
            wait_out(out_v0, so0)

        compute_chunk(c, rows_v0, out_v0, so0)
        issue_gathers(c + 2, rows_v0, sg0)
        wait_gathers(rows_v1, sg1)

        @pl.when(c2 > 0)
        def _():
            wait_out(out_v1, so1)

        compute_chunk(c + 1, rows_v1, out_v1, so1)
        issue_gathers(c + 3, rows_v1, sg1)
        return carry

    lax.fori_loop(0, N_CHUNKS // 2, body, 0)
    wait_gathers(rows_v0, sg0)
    wait_gathers(rows_v1, sg1)
    wait_out(out_v0, so0)
    wait_out(out_v1, so1)


_TC_BLK = 8192
_TC_GRID = NF_PAD // _TC_BLK


def _tc_reduce_body(x_ref, o_ref):
    i = pl.program_id(0)
    x = x_ref[...]
    d2a = jnp.sum(x[:, 0:LANES], axis=1)
    d2b = jnp.sum(x[:, LANES:2 * LANES], axis=1)
    d2c = jnp.sum(x[:, 2 * LANES:3 * LANES], axis=1)
    s = jnp.sum(jnp.sqrt(d2a)) + jnp.sum(jnp.sqrt(d2b)) + jnp.sum(jnp.sqrt(d2c))

    @pl.when(i == 0)
    def _init():
        o_ref[0, 0] = s

    @pl.when(i != 0)
    def _acc():
        o_ref[0, 0] = o_ref[0, 0] + s


_tc_reduce = pl.pallas_call(
    _tc_reduce_body,
    grid=(_TC_GRID,),
    in_specs=[pl.BlockSpec((_TC_BLK, 3 * LANES), lambda i: (i, 0))],
    out_specs=pl.BlockSpec(memory_space=pltpu.SMEM),
    out_shape=jax.ShapeDtypeStruct((1, 1), jnp.float32),
)


def kernel(vertex_features, faces):
    table = vertex_features.reshape(NV, D)
    flat_idx = faces.reshape(-1)
    pad = jnp.zeros((IDX_HBM_LEN - 3 * NF,), jnp.int32)
    idx_flat = jnp.concatenate([flat_idx, pad])
    partials = _sc_pair_partials(table, idx_flat)
    total = _tc_reduce(partials)
    return total.reshape(1)

# --- scband reference (transcript-rebuilt; emitter-appended) ---
"""Pipeline reference for scband-surface-feature-consistency-61246233641447 (READ-ONLY COPY).

The authoritative reference and input builder live on the scoring server;
editing this copy changes nothing except your own understanding.
"""

import jax, jax.numpy as jnp
import numpy as np


def setup_inputs(seed: int = 0) -> dict:
    key = jax.random.key(seed)
    k1, k2 = jax.random.split(key)
    vertex_features = jax.random.normal(k1, (1, 100000, 128), dtype=jnp.float32)
    faces = jax.random.randint(k2, (200000, 3), 0, 100000, dtype=jnp.int32)
    return {"vertex_features": vertex_features, "faces": faces}


def reference(vertex_features, faces):
    # faces.squeeze() is a no-op for [F, 3]
    faces = jnp.squeeze(faces)
    # gather: [B, N, d] indexed along axis 1 with [F, 3] -> [B, F, 3, d]
    features_faces = vertex_features[:, faces]
    a = jnp.linalg.norm(features_faces[..., 0, :] - features_faces[..., 1, :], ord=2, axis=-1)
    b = jnp.linalg.norm(features_faces[..., 0, :] - features_faces[..., 2, :], ord=2, axis=-1)
    c = jnp.linalg.norm(features_faces[..., 2, :] - features_faces[..., 1, :], ord=2, axis=-1)
    return jnp.sum(jnp.concatenate([a, b, c], axis=-1), axis=-1)

if __name__ == "__main__":
    import jax
    _d = setup_inputs()
    print(jax.jit(kernel)(*tuple(_d.values())))

</pallas_src>

<mosaic_0001>
#map = affine_map<(d0, d1) -> (0, 0)>
#map1 = affine_map<(d0, d1) -> (0)>
module attributes {stable_mosaic.version = 14 : i64} {
  func.func @_sc_pair_partials(%arg0: i32, %arg1: i32, %arg2: memref<100000x128xf32, #tpu.memory_space<hbm>>, %arg3: memref<614784xi32, #tpu.memory_space<hbm>>, %arg4: memref<204800x48xf32, #tpu.memory_space<hbm>>, %arg5: memref<19584xi32, #tpu.memory_space<vmem>>, %arg6: memref<192x128xf32, #tpu.memory_space<vmem>>, %arg7: memref<192x128xf32, #tpu.memory_space<vmem>>, %arg8: memref<64x48xf32, #tpu.memory_space<vmem>>, %arg9: memref<64x48xf32, #tpu.memory_space<vmem>>, %arg10: memref<!tpu.dma_semaphore, #tpu.memory_space<semaphore_mem>>, %arg11: memref<!tpu.dma_semaphore, #tpu.memory_space<semaphore_mem>>, %arg12: memref<!tpu.dma_semaphore, #tpu.memory_space<semaphore_mem>>, %arg13: memref<!tpu.dma_semaphore, #tpu.memory_space<semaphore_mem>>) attributes {dimension_semantics = [#tpu.dimension_semantics<core_parallel>, #tpu.dimension_semantics<subcore_parallel>], iteration_bounds = array<i64: 2, 16>, scalar_prefetch = 0 : i64, scratch_operands = 9 : i64, tpu.core_type = #tpu.core_type<sc_vector_subcore>, window_params = [{transform_indices = #map}, {transform_indices = #map1}, {transform_indices = #map}]} {
    %mul3A = arith.constant 2 : i32
    %mul3A_0 = arith.muli %arg1, %mul3A : i32
    %add3A = arith.addi %mul3A_0, %arg0 : i32
    %mul3A_1 = arith.constant 19200 : i32
    %mul3A_2 = arith.muli %add3A, %mul3A_1 : i32
    "tpu.region"() ({
      %run_scoped3A = tpu.sem_alloc : memref<!tpu.dma_semaphore, #tpu.memory_space<semaphore_mem>>
      %dma_start3A_82 = tpu.memref_slice %arg3[%mul3A_2] : memref<614784xi32, #tpu.memory_space<hbm>> -> memref<19584xi32, #tpu.memory_space<hbm>>
      %dma_start3A_83 = tpu.memref_slice %arg3[%mul3A_2] : memref<614784xi32, #tpu.memory_space<hbm>> -> memref<19584xi32, #tpu.memory_space<hbm>>
      tpu.enqueue_dma source(%dma_start3A_83 : memref<19584xi32, #tpu.memory_space<hbm>>) target(%arg5 : memref<19584xi32, #tpu.memory_space<vmem>>) target_semaphore(%run_scoped3A : memref<!tpu.dma_semaphore, #tpu.memory_space<semaphore_mem>>)
      %dma_wait3A_84 = tpu.memref_slice %arg3[%mul3A_2] : memref<614784xi32, #tpu.memory_space<hbm>> -> memref<19584xi32, #tpu.memory_space<hbm>>
      %dma_wait3A_85 = tpu.memref_slice %arg3[%mul3A_2] : memref<614784xi32, #tpu.memory_space<hbm>> -> memref<19584xi32, #tpu.memory_space<hbm>>
      tpu.wait_dma2 semaphore(%run_scoped3A : memref<!tpu.dma_semaphore, #tpu.memory_space<semaphore_mem>>) src(%dma_wait3A_85 : memref<19584xi32, #tpu.memory_space<hbm>>) dst(%arg5 : memref<19584xi32, #tpu.memory_space<vmem>>)
      tpu.yield
    }) : () -> ()
    %dma_start3A = arith.constant 0 : i32
    %dma_start3A_3 = arith.constant 0 : i32
    %dma_start3A_4 = tpu.memref_slice %arg6[%dma_start3A, %dma_start3A_3] : memref<192x128xf32, #tpu.memory_space<vmem>> -> memref<96x128xf32, #tpu.memory_space<vmem>>
    %dma_start3A_5 = arith.constant 0 : i32
    %dma_start3A_6 = tpu.memref_slice %arg5[%dma_start3A_5] : memref<19584xi32, #tpu.memory_space<vmem>> -> memref<96xi32, #tpu.memory_space<vmem>>
    %dma_start3A_7 = arith.constant 0 : i32
    %dma_start3A_8 = arith.constant 0 : i32
    %dma_start3A_9 = tpu.memref_slice %arg2[%dma_start3A_7, %dma_start3A_8] : memref<100000x128xf32, #tpu.memory_space<hbm>> -> memref<100000x128xf32, #tpu.memory_space<hbm>>
    tpu.enqueue_indirect_dma source(%dma_start3A_9 : memref<100000x128xf32, #tpu.memory_space<hbm>>) target(%dma_start3A_4 : memref<96x128xf32, #tpu.memory_space<vmem>>) offsets(%dma_start3A_6 : memref<96xi32, #tpu.memory_space<vmem>>) semaphore(%arg10 : memref<!tpu.dma_semaphore, #tpu.memory_space<semaphore_mem>>)
    %dma_start3A_10 = arith.constant 96 : i32
    %dma_start3A_11 = arith.constant 0 : i32
    %dma_start3A_12 = tpu.memref_slice %arg6[%dma_start3A_10, %dma_start3A_11] : memref<192x128xf32, #tpu.memory_space<vmem>> -> memref<96x128xf32, #tpu.memory_space<vmem>>
    %dma_start3A_13 = arith.constant 96 : i32
    %dma_start3A_14 = tpu.memref_slice %arg5[%dma_start3A_13] : memref<19584xi32, #tpu.memory_space<vmem>> -> memref<96xi32, #tpu.memory_space<vmem>>
    %dma_start3A_15 = arith.constant 0 : i32
    %dma_start3A_16 = arith.constant 0 : i32
    %dma_start3A_17 = tpu.memref_slice %arg2[%dma_start3A_15, %dma_start3A_16] : memref<100000x128xf32, #tpu.memory_space<hbm>> -> memref<100000x128xf32, #tpu.memory_space<hbm>>
    tpu.enqueue_indirect_dma source(%dma_start3A_17 : memref<100000x128xf32, #tpu.memory_space<hbm>>) target(%dma_start3A_12 : memref<96x128xf32, #tpu.memory_space<vmem>>) offsets(%dma_start3A_14 : memref<96xi32, #tpu.memory_space<vmem>>) semaphore(%arg10 : memref<!tpu.dma_semaphore, #tpu.memory_space<semaphore_mem>>)
    %dma_start3A_18 = arith.constant 0 : i32
    %dma_start3A_19 = arith.constant 0 : i32
    %dma_start3A_20 = tpu.memref_slice %arg7[%dma_start3A_18, %dma_start3A_19] : memref<192x128xf32, #tpu.memory_space<vmem>> -> memref<96x128xf32, #tpu.memory_space<vmem>>
    %dma_start3A_21 = arith.constant 192 : i32
    %dma_start3A_22 = tpu.memref_slice %arg5[%dma_start3A_21] : memref<19584xi32, #tpu.memory_space<vmem>> -> memref<96xi32, #tpu.memory_space<vmem>>
    %dma_start3A_23 = arith.constant 0 : i32
    %dma_start3A_24 = arith.constant 0 : i32
    %dma_start3A_25 = tpu.memref_slice %arg2[%dma_start3A_23, %dma_start3A_24] : memref<100000x128xf32, #tpu.memory_space<hbm>> -> memref<100000x128xf32, #tpu.memory_space<hbm>>
    tpu.enqueue_indirect_dma source(%dma_start3A_25 : memref<100000x128xf32, #tpu.memory_space<hbm>>) target(%dma_start3A_20 : memref<96x128xf32, #tpu.memory_space<vmem>>) offsets(%dma_start3A_22 : memref<96xi32, #tpu.memory_space<vmem>>) semaphore(%arg11 : memref<!tpu.dma_semaphore, #tpu.memory_space<semaphore_mem>>)
    %dma_start3A_26 = arith.constant 96 : i32
    %dma_start3A_27 = arith.constant 0 : i32
    %dma_start3A_28 = tpu.memref_slice %arg7[%dma_start3A_26, %dma_start3A_27] : memref<192x128xf32, #tpu.memory_space<vmem>> -> memref<96x128xf32, #tpu.memory_space<vmem>>
    %dma_start3A_29 = arith.constant 288 : i32
    %dma_start3A_30 = tpu.memref_slice %arg5[%dma_start3A_29] : memref<19584xi32, #tpu.memory_space<vmem>> -> memref<96xi32, #tpu.memory_space<vmem>>
    %dma_start3A_31 = arith.constant 0 : i32
    %dma_start3A_32 = arith.constant 0 : i32
    %dma_start3A_33 = tpu.memref_slice %arg2[%dma_start3A_31, %dma_start3A_32] : memref<100000x128xf32, #tpu.memory_space<hbm>> -> memref<100000x128xf32, #tpu.memory_space<hbm>>
    tpu.enqueue_indirect_dma source(%dma_start3A_33 : memref<100000x128xf32, #tpu.memory_space<hbm>>) target(%dma_start3A_28 : memref<96x128xf32, #tpu.memory_space<vmem>>) offsets(%dma_start3A_30 : memref<96xi32, #tpu.memory_space<vmem>>) semaphore(%arg11 : memref<!tpu.dma_semaphore, #tpu.memory_space<semaphore_mem>>)
    %scan3A = arith.constant 0 : i32
    %scan3A_34 = arith.constant 0 : i32
    %scan3A_35 = arith.constant 50 : i32
    %scan3A_36 = arith.addi %scan3A_34, %scan3A_35 : i32
    %scan3A_37 = arith.constant 1 : i32
    scf.for %scan3A_82 = %scan3A_34 to %scan3A_36 step %scan3A_37  : i32 {
      %mul3A_83 = arith.constant 2 : i32
      %mul3A_84 = arith.muli %mul3A_83, %scan3A_82 : i32
      %dma_wait3A_85 = arith.constant 0 : i32
      %dma_wait3A_86 = arith.constant 0 : i32
      %dma_wait3A_87 = tpu.memref_slice %arg6[%dma_wait3A_85, %dma_wait3A_86] : memref<192x128xf32, #tpu.memory_space<vmem>> -> memref<96x128xf32, #tpu.memory_space<vmem>>
      %dma_wait3A_88 = arith.constant 0 : i32
      %dma_wait3A_89 = tpu.memref_slice %arg5[%dma_wait3A_88] : memref<19584xi32, #tpu.memory_space<vmem>> -> memref<96xi32, #tpu.memory_space<vmem>>
      %dma_wait3A_90 = arith.constant 0 : i32
      %dma_wait3A_91 = arith.constant 0 : i32
      %dma_wait3A_92 = tpu.memref_slice %arg2[%dma_wait3A_90, %dma_wait3A_91] : memref<100000x128xf32, #tpu.memory_space<hbm>> -> memref<100000x128xf32, #tpu.memory_space<hbm>>
      tpu.wait_indirect_dma semaphore(%arg10 : memref<!tpu.dma_semaphore, #tpu.memory_space<semaphore_mem>>) src(%dma_wait3A_92 : memref<100000x128xf32, #tpu.memory_space<hbm>>) dst(%dma_wait3A_87 : memref<96x128xf32, #tpu.memory_space<vmem>>)
      %dma_wait3A_93 = arith.constant 96 : i32
      %dma_wait3A_94 = arith.constant 0 : i32
      %dma_wait3A_95 = tpu.memref_slice %arg6[%dma_wait3A_93, %dma_wait3A_94] : memref<192x128xf32, #tpu.memory_space<vmem>> -> memref<96x128xf32, #tpu.memory_space<vmem>>
      %dma_wait3A_96 = arith.constant 96 : i32
      %dma_wait3A_97 = tpu.memref_slice %arg5[%dma_wait3A_96] : memref<19584xi32, #tpu.memory_space<vmem>> -> memref<96xi32, #tpu.memory_space<vmem>>
      %dma_wait3A_98 = arith.constant 0 : i32
      %dma_wait3A_99 = arith.constant 0 : i32
      %dma_wait3A_100 = tpu.memref_slice %arg2[%dma_wait3A_98, %dma_wait3A_99] : memref<100000x128xf32, #tpu.memory_space<hbm>> -> memref<100000x128xf32, #tpu.memory_space<hbm>>
      tpu.wait_indirect_dma semaphore(%arg10 : memref<!tpu.dma_semaphore, #tpu.memory_space<semaphore_mem>>) src(%dma_wait3A_100 : memref<100000x128xf32, #tpu.memory_space<hbm>>) dst(%dma_wait3A_95 : memref<96x128xf32, #tpu.memory_space<vmem>>)
      %gt3A = arith.constant 0 : i32
      %gt3A_101 = arith.cmpi sgt, %scan3A_82, %gt3A : i32
      %convert_element_type3A = arith.extui %gt3A_101 : i1 to i32
      %cond3A = arith.constant 0 : i32
      %cond3A_102 = arith.cmpi ne, %convert_element_type3A, %cond3A : i32
      scf.if %cond3A_102 {
        %dma_wait3A_197 = arith.constant 0 : i32
        %dma_wait3A_198 = arith.constant 0 : i32
        %dma_wait3A_199 = tpu.memref_slice %arg4[%dma_wait3A_197, %dma_wait3A_198] : memref<204800x48xf32, #tpu.memory_space<hbm>> -> memref<64x48xf32, #tpu.memory_space<hbm>>
        %dma_wait3A_200 = arith.constant 0 : i32
        %dma_wait3A_201 = arith.constant 0 : i32
        %dma_wait3A_202 = tpu.memref_slice %arg4[%dma_wait3A_200, %dma_wait3A_201] : memref<204800x48xf32, #tpu.memory_space<hbm>> -> memref<64x48xf32, #tpu.memory_space<hbm>>
        tpu.wait_dma2 semaphore(%arg12 : memref<!tpu.dma_semaphore, #tpu.memory_space<semaphore_mem>>) src(%arg8 : memref<64x48xf32, #tpu.memory_space<vmem>>) dst(%dma_wait3A_202 : memref<64x48xf32, #tpu.memory_space<hbm>>)
      } else {
      }
      %parallel_loop3A = arith.constant 0 : i32
      %parallel_loop3A_103 = arith.constant 64 : i32
      %parallel_loop3A_104 = arith.constant 1 : i32
      scf.for %parallel_loop3A_197 = %parallel_loop3A to %parallel_loop3A_103 step %parallel_loop3A_104  : i32 {
        %parallel_loop3A_198 = arith.constant 3 : i32
        %parallel_loop3A_199 = arith.muli %parallel_loop3A_198, %parallel_loop3A_197 : i32
        %parallel_loop3A_200 = arith.constant 0.000000e+00 : f32
        %parallel_loop3A_201 = vector.broadcast %parallel_loop3A_200 : f32 to vector<16xf32>
        %parallel_loop3A_202 = arith.index_cast %parallel_loop3A_199 : i32 to index
        %parallel_loop3A_203 = arith.constant 0 : index
        %parallel_loop3A_204 = tpu.vector_load %arg6[%parallel_loop3A_202, %parallel_loop3A_203] {strides = array<i32>} : memref<192x128xf32, #tpu.memory_space<vmem>>, vector<1x16xf32>,
        %parallel_loop3A_205 = vector.shape_cast %parallel_loop3A_204 : vector<1x16xf32> to vector<16xf32>
        %parallel_loop3A_206 = arith.constant 1 : i32
        %parallel_loop3A_207 = arith.addi %parallel_loop3A_199, %parallel_loop3A_206 : i32
        %parallel_loop3A_208 = arith.index_cast %parallel_loop3A_207 : i32 to index
        %parallel_loop3A_209 = arith.constant 0 : index
        %parallel_loop3A_210 = tpu.vector_load %arg6[%parallel_loop3A_208, %parallel_loop3A_209] {strides = array<i32>} : memref<192x128xf32, #tpu.memory_space<vmem>>, vector<1x16xf32>,
        %parallel_loop3A_211 = vector.shape_cast %parallel_loop3A_210 : vector<1x16xf32> to vector<16xf32>
        %parallel_loop3A_212 = arith.constant 2 : i32
        %parallel_loop3A_213 = arith.addi %parallel_loop3A_199, %parallel_loop3A_212 : i32
        %parallel_loop3A_214 = arith.index_cast %parallel_loop3A_213 : i32 to index
        %parallel_loop3A_215 = arith.constant 0 : index
        %parallel_loop3A_216 = tpu.vector_load %arg6[%parallel_loop3A_214, %parallel_loop3A_215] {strides = array<i32>} : memref<192x128xf32, #tpu.memory_space<vmem>>, vector<1x16xf32>,
        %parallel_loop3A_217 = vector.shape_cast %parallel_loop3A_216 : vector<1x16xf32> to vector<16xf32>
        %parallel_loop3A_218 = arith.subf %parallel_loop3A_205, %parallel_loop3A_211 : vector<16xf32>
        %parallel_loop3A_219 = arith.subf %parallel_loop3A_205, %parallel_loop3A_217 : vector<16xf32>
        %parallel_loop3A_220 = arith.subf %parallel_loop3A_217, %parallel_loop3A_211 : vector<16xf32>
        %parallel_loop3A_221 = arith.mulf %parallel_loop3A_218, %parallel_loop3A_218 : vector<16xf32>
        %parallel_loop3A_222 = arith.addf %parallel_loop3A_201, %parallel_loop3A_221 : vector<16xf32>
        %parallel_loop3A_223 = arith.mulf %parallel_loop3A_219, %parallel_loop3A_219 : vector<16xf32>
        %parallel_loop3A_224 = arith.addf %parallel_loop3A_201, %parallel_loop3A_223 : vector<16xf32>
        %parallel_loop3A_225 = arith.mulf %parallel_loop3A_220, %parallel_loop3A_220 : vector<16xf32>
        %parallel_loop3A_226 = arith.addf %parallel_loop3A_201, %parallel_loop3A_225 : vector<16xf32>
        %parallel_loop3A_227 = arith.index_cast %parallel_loop3A_199 : i32 to index
        %parallel_loop3A_228 = arith.constant 16 : index
        %parallel_loop3A_229 = tpu.vector_load %arg6[%parallel_loop3A_227, %parallel_loop3A_228] {strides = array<i32>} : memref<192x128xf32, #tpu.memory_space<vmem>>, vector<1x16xf32>,
        %parallel_loop3A_230 = vector.shape_cast %parallel_loop3A_229 : vector<1x16xf32> to vector<16xf32>
        %parallel_loop3A_231 = arith.constant 1 : i32
        %parallel_loop3A_232 = arith.addi %parallel_loop3A_199, %parallel_loop3A_231 : i32
        %parallel_loop3A_233 = arith.index_cast %parallel_loop3A_232 : i32 to index
        %parallel_loop3A_234 = arith.constant 16 : index
        %parallel_loop3A_235 = tpu.vector_load %arg6[%parallel_loop3A_233, %parallel_loop3A_234] {strides = array<i32>} : memref<192x128xf32, #tpu.memory_space<vmem>>, vector<1x16xf32>,
        %parallel_loop3A_236 = vector.shape_cast %parallel_loop3A_235 : vector<1x16xf32> to vector<16xf32>
        %parallel_loop3A_237 = arith.constant 2 : i32
        %parallel_loop3A_238 = arith.addi %parallel_loop3A_199, %parallel_loop3A_237 : i32
        %parallel_loop3A_239 = arith.index_cast %parallel_loop3A_238 : i32 to index
        %parallel_loop3A_240 = arith.constant 16 : index
        %parallel_loop3A_241 = tpu.vector_load %arg6[%parallel_loop3A_239, %parallel_loop3A_240] {strides = array<i32>} : memref<192x128xf32, #tpu.memory_space<vmem>>, vector<1x16xf32>,
        %parallel_loop3A_242 = vector.shape_cast %parallel_loop3A_241 : vector<1x16xf32> to vector<16xf32>
        %parallel_loop3A_243 = arith.subf %parallel_loop3A_230, %parallel_loop3A_236 : vector<16xf32>
        %parallel_loop3A_244 = arith.subf %parallel_loop3A_230, %parallel_loop3A_242 : vector<16xf32>
        %parallel_loop3A_245 = arith.subf %parallel_loop3A_242, %parallel_loop3A_236 : vector<16xf32>
        %parallel_loop3A_246 = arith.mulf %parallel_loop3A_243, %parallel_loop3A_243 : vector<16xf32>
        %parallel_loop3A_247 = arith.addf %parallel_loop3A_222, %parallel_loop3A_246 : vector<16xf32>
        %parallel_loop3A_248 = arith.mulf %parallel_loop3A_244, %parallel_loop3A_244 : vector<16xf32>
        %parallel_loop3A_249 = arith.addf %parallel_loop3A_224, %parallel_loop3A_248 : vector<16xf32>
        %parallel_loop3A_250 = arith.mulf %parallel_loop3A_245, %parallel_loop3A_245 : vector<16xf32>
        %parallel_loop3A_251 = arith.addf %parallel_loop3A_226, %parallel_loop3A_250 : vector<16xf32>
        %parallel_loop3A_252 = arith.index_cast %parallel_loop3A_199 : i32 to index
        %parallel_loop3A_253 = arith.constant 32 : index
        %parallel_loop3A_254 = tpu.vector_load %arg6[%parallel_loop3A_252, %parallel_loop3A_253] {strides = array<i32>} : memref<192x128xf32, #tpu.memory_space<vmem>>, vector<1x16xf32>,
        %parallel_loop3A_255 = vector.shape_cast %parallel_loop3A_254 : vector<1x16xf32> to vector<16xf32>
        %parallel_loop3A_256 = arith.constant 1 : i32
        %parallel_loop3A_257 = arith.addi %parallel_loop3A_199, %parallel_loop3A_256 : i32
        %parallel_loop3A_258 = arith.index_cast %parallel_loop3A_257 : i32 to index
        %parallel_loop3A_259 = arith.constant 32 : index
        %parallel_loop3A_260 = tpu.vector_load %arg6[%parallel_loop3A_258, %parallel_loop3A_259] {strides = array<i32>} : memref<192x128xf32, #tpu.memory_space<vmem>>, vector<1x16xf32>,
        %parallel_loop3A_261 = vector.shape_cast %parallel_loop3A_260 : vector<1x16xf32> to vector<16xf32>
        %parallel_loop3A_262 = arith.constant 2 : i32
        %parallel_loop3A_263 = arith.addi %parallel_loop3A_199, %parallel_loop3A_262 : i32
        %parallel_loop3A_264 = arith.index_cast %parallel_loop3A_263 : i32 to index
        %parallel_loop3A_265 = arith.constant 32 : index
        %parallel_loop3A_266 = tpu.vector_load %arg6[%parallel_loop3A_264, %parallel_loop3A_265] {strides = array<i32>} : memref<192x128xf32, #tpu.memory_space<vmem>>, vector<1x16xf32>,
        %parallel_loop3A_267 = vector.shape_cast %parallel_loop3A_266 : vector<1x16xf32> to vector<16xf32>
        %parallel_loop3A_268 = arith.subf %parallel_loop3A_255, %parallel_loop3A_261 : vector<16xf32>
        %parallel_loop3A_269 = arith.subf %parallel_loop3A_255, %parallel_loop3A_267 : vector<16xf32>
        %parallel_loop3A_270 = arith.subf %parallel_loop3A_267, %parallel_loop3A_261 : vector<16xf32>
        %parallel_loop3A_271 = arith.mulf %parallel_loop3A_268, %parallel_loop3A_268 : vector<16xf32>
        %parallel_loop3A_272 = arith.addf %parallel_loop3A_247, %parallel_loop3A_271 : vector<16xf32>
        %parallel_loop3A_273 = arith.mulf %parallel_loop3A_269, %parallel_loop3A_269 : vector<16xf32>
        %parallel_loop3A_274 = arith.addf %parallel_loop3A_249, %parallel_loop3A_273 : vector<16xf32>
        %parallel_loop3A_275 = arith.mulf %parallel_loop3A_270, %parallel_loop3A_270 : vector<16xf32>
        %parallel_loop3A_276 = arith.addf %parallel_loop3A_251, %parallel_loop3A_275 : vector<16xf32>
        %parallel_loop3A_277 = arith.index_cast %parallel_loop3A_199 : i32 to index
        %parallel_loop3A_278 = arith.constant 48 : index
        %parallel_loop3A_279 = tpu.vector_load %arg6[%parallel_loop3A_277, %parallel_loop3A_278] {strides = array<i32>} : memref<192x128xf32, #tpu.memory_space<vmem>>, vector<1x16xf32>,
        %parallel_loop3A_280 = vector.shape_cast %parallel_loop3A_279 : vector<1x16xf32> to vector<16xf32>
        %parallel_loop3A_281 = arith.constant 1 : i32
        %parallel_loop3A_282 = arith.addi %parallel_loop3A_199, %parallel_loop3A_281 : i32
        %parallel_loop3A_283 = arith.index_cast %parallel_loop3A_282 : i32 to index
        %parallel_loop3A_284 = arith.constant 48 : index
        %parallel_loop3A_285 = tpu.vector_load %arg6[%parallel_loop3A_283, %parallel_loop3A_284] {strides = array<i32>} : memref<192x128xf32, #tpu.memory_space<vmem>>, vector<1x16xf32>,
        %parallel_loop3A_286 = vector.shape_cast %parallel_loop3A_285 : vector<1x16xf32> to vector<16xf32>
        %parallel_loop3A_287 = arith.constant 2 : i32
        %parallel_loop3A_288 = arith.addi %parallel_loop3A_199, %parallel_loop3A_287 : i32
        %parallel_loop3A_289 = arith.index_cast %parallel_loop3A_288 : i32 to index
        %parallel_loop3A_290 = arith.constant 48 : index
        %parallel_loop3A_291 = tpu.vector_load %arg6[%parallel_loop3A_289, %parallel_loop3A_290] {strides = array<i32>} : memref<192x128xf32, #tpu.memory_space<vmem>>, vector<1x16xf32>,
        %parallel_loop3A_292 = vector.shape_cast %parallel_loop3A_291 : vector<1x16xf32> to vector<16xf32>
        %parallel_loop3A_293 = arith.subf %parallel_loop3A_280, %parallel_loop3A_286 : vector<16xf32>
        %parallel_loop3A_294 = arith.subf %parallel_loop3A_280, %parallel_loop3A_292 : vector<16xf32>
        %parallel_loop3A_295 = arith.subf %parallel_loop3A_292, %parallel_loop3A_286 : vector<16xf32>
        %parallel_loop3A_296 = arith.mulf %parallel_loop3A_293, %parallel_loop3A_293 : vector<16xf32>
        %parallel_loop3A_297 = arith.addf %parallel_loop3A_272, %parallel_loop3A_296 : vector<16xf32>
        %parallel_loop3A_298 = arith.mulf %parallel_loop3A_294, %parallel_loop3A_294 : vector<16xf32>
        %parallel_loop3A_299 = arith.addf %parallel_loop3A_274, %parallel_loop3A_298 : vector<16xf32>
        %parallel_loop3A_300 = arith.mulf %parallel_loop3A_295, %parallel_loop3A_295 : vector<16xf32>
        %parallel_loop3A_301 = arith.addf %parallel_loop3A_276, %parallel_loop3A_300 : vector<16xf32>
        %parallel_loop3A_302 = arith.index_cast %parallel_loop3A_199 : i32 to index
        %parallel_loop3A_303 = arith.constant 64 : index
        %parallel_loop3A_304 = tpu.vector_load %arg6[%parallel_loop3A_302, %parallel_loop3A_303] {strides = array<i32>} : memref<192x128xf32, #tpu.memory_space<vmem>>, vector<1x16xf32>,
        %parallel_loop3A_305 = vector.shape_cast %parallel_loop3A_304 : vector<1x16xf32> to vector<16xf32>
        %parallel_loop3A_306 = arith.constant 1 : i32
        %parallel_loop3A_307 = arith.addi %parallel_loop3A_199, %parallel_loop3A_306 : i32
        %parallel_loop3A_308 = arith.index_cast %parallel_loop3A_307 : i32 to index
        %parallel_loop3A_309 = arith.constant 64 : index
        %parallel_loop3A_310 = tpu.vector_load %arg6[%parallel_loop3A_308, %parallel_loop3A_309] {strides = array<i32>} : memref<192x128xf32, #tpu.memory_space<vmem>>, vector<1x16xf32>,
        %parallel_loop3A_311 = vector.shape_cast %parallel_loop3A_310 : vector<1x16xf32> to vector<16xf32>
        %parallel_loop3A_312 = arith.constant 2 : i32
        %parallel_loop3A_313 = arith.addi %parallel_loop3A_199, %parallel_loop3A_312 : i32
        %parallel_loop3A_314 = arith.index_cast %parallel_loop3A_313 : i32 to index
        %parallel_loop3A_315 = arith.constant 64 : index
        %parallel_loop3A_316 = tpu.vector_load %arg6[%parallel_loop3A_314, %parallel_loop3A_315] {strides = array<i32>} : memref<192x128xf32, #tpu.memory_space<vmem>>, vector<1x16xf32>,
        %parallel_loop3A_317 = vector.shape_cast %parallel_loop3A_316 : vector<1x16xf32> to vector<16xf32>
        %parallel_loop3A_318 = arith.subf %parallel_loop3A_305, %parallel_loop3A_311 : vector<16xf32>
        %parallel_loop3A_319 = arith.subf %parallel_loop3A_305, %parallel_loop3A_317 : vector<16xf32>
        %parallel_loop3A_320 = arith.subf %parallel_loop3A_317, %parallel_loop3A_311 : vector<16xf32>
        %parallel_loop3A_321 = arith.mulf %parallel_loop3A_318, %parallel_loop3A_318 : vector<16xf32>
        %parallel_loop3A_322 = arith.addf %parallel_loop3A_297, %parallel_loop3A_321 : vector<16xf32>
        %parallel_loop3A_323 = arith.mulf %parallel_loop3A_319, %parallel_loop3A_319 : vector<16xf32>
        %parallel_loop3A_324 = arith.addf %parallel_loop3A_299, %parallel_loop3A_323 : vector<16xf32>
        %parallel_loop3A_325 = arith.mulf %parallel_loop3A_320, %parallel_loop3A_320 : vector<16xf32>
        %parallel_loop3A_326 = arith.addf %parallel_loop3A_301, %parallel_loop3A_325 : vector<16xf32>
        %parallel_loop3A_327 = arith.index_cast %parallel_loop3A_199 : i32 to index
        %parallel_loop3A_328 = arith.constant 80 : index
        %parallel_loop3A_329 = tpu.vector_load %arg6[%parallel_loop3A_327, %parallel_loop3A_328] {strides = array<i32>} : memref<192x128xf32, #tpu.memory_space<vmem>>, vector<1x16xf32>,
        %parallel_loop3A_330 = vector.shape_cast %parallel_loop3A_329 : vector<1x16xf32> to vector<16xf32>
        %parallel_loop3A_331 = arith.constant 1 : i32
        %parallel_loop3A_332 = arith.addi %parallel_loop3A_199, %parallel_loop3A_331 : i32
        %parallel_loop3A_333 = arith.index_cast %parallel_loop3A_332 : i32 to index
        %parallel_loop3A_334 = arith.constant 80 : index
        %parallel_loop3A_335 = tpu.vector_load %arg6[%parallel_loop3A_333, %parallel_loop3A_334] {strides = array<i32>} : memref<192x128xf32, #tpu.memory_space<vmem>>, vector<1x16xf32>,
        %parallel_loop3A_336 = vector.shape_cast %parallel_loop3A_335 : vector<1x16xf32> to vector<16xf32>
        %parallel_loop3A_337 = arith.constant 2 : i32
        %parallel_loop3A_338 = arith.addi %parallel_loop3A_199, %parallel_loop3A_337 : i32
        %parallel_loop3A_339 = arith.index_cast %parallel_loop3A_338 : i32 to index
        %parallel_loop3A_340 = arith.constant 80 : index
        %parallel_loop3A_341 = tpu.vector_load %arg6[%parallel_loop3A_339, %parallel_loop3A_340] {strides = array<i32>} : memref<192x128xf32, #tpu.memory_space<vmem>>, vector<1x16xf32>,
        %parallel_loop3A_342 = vector.shape_cast %parallel_loop3A_341 : vector<1x16xf32> to vector<16xf32>
        %parallel_loop3A_343 = arith.subf %parallel_loop3A_330, %parallel_loop3A_336 : vector<16xf32>
        %parallel_loop3A_344 = arith.subf %parallel_loop3A_330, %parallel_loop3A_342 : vector<16xf32>
        %parallel_loop3A_345 = arith.subf %parallel_loop3A_342, %parallel_loop3A_336 : vector<16xf32>
        %parallel_loop3A_346 = arith.mulf %parallel_loop3A_343, %parallel_loop3A_343 : vector<16xf32>
        %parallel_loop3A_347 = arith.addf %parallel_loop3A_322, %parallel_loop3A_346 : vector<16xf32>
        %parallel_loop3A_348 = arith.mulf %parallel_loop3A_344, %parallel_loop3A_344 : vector<16xf32>
        %parallel_loop3A_349 = arith.addf %parallel_loop3A_324, %parallel_loop3A_348 : vector<16xf32>
        %parallel_loop3A_350 = arith.mulf %parallel_loop3A_345, %parallel_loop3A_345 : vector<16xf32>
        %parallel_loop3A_351 = arith.addf %parallel_loop3A_326, %parallel_loop3A_350 : vector<16xf32>
        %parallel_loop3A_352 = arith.index_cast %parallel_loop3A_199 : i32 to index
        %parallel_loop3A_353 = arith.constant 96 : index
        %parallel_loop3A_354 = tpu.vector_load %arg6[%parallel_loop3A_352, %parallel_loop3A_353] {strides = array<i32>} : memref<192x128xf32, #tpu.memory_space<vmem>>, vector<1x16xf32>,
        %parallel_loop3A_355 = vector.shape_cast %parallel_loop3A_354 : vector<1x16xf32> to vector<16xf32>
        %parallel_loop3A_356 = arith.constant 1 : i32
        %parallel_loop3A_357 = arith.addi %parallel_loop3A_199, %parallel_loop3A_356 : i32
        %parallel_loop3A_358 = arith.index_cast %parallel_loop3A_357 : i32 to index
        %parallel_loop3A_359 = arith.constant 96 : index
        %parallel_loop3A_360 = tpu.vector_load %arg6[%parallel_loop3A_358, %parallel_loop3A_359] {strides = array<i32>} : memref<192x128xf32, #tpu.memory_space<vmem>>, vector<1x16xf32>,
        %parallel_loop3A_361 = vector.shape_cast %parallel_loop3A_360 : vector<1x16xf32> to vector<16xf32>
        %parallel_loop3A_362 = arith.constant 2 : i32
        %parallel_loop3A_363 = arith.addi %parallel_loop3A_199, %parallel_loop3A_362 : i32
        %parallel_loop3A_364 = arith.index_cast %parallel_loop3A_363 : i32 to index
        %parallel_loop3A_365 = arith.constant 96 : index
        %parallel_loop3A_366 = tpu.vector_load %arg6[%parallel_loop3A_364, %parallel_loop3A_365] {strides = array<i32>} : memref<192x128xf32, #tpu.memory_space<vmem>>, vector<1x16xf32>,
        %parallel_loop3A_367 = vector.shape_cast %parallel_loop3A_366 : vector<1x16xf32> to vector<16xf32>
        %parallel_loop3A_368 = arith.subf %parallel_loop3A_355, %parallel_loop3A_361 : vector<16xf32>
        %parallel_loop3A_369 = arith.subf %parallel_loop3A_355, %parallel_loop3A_367 : vector<16xf32>
        %parallel_loop3A_370 = arith.subf %parallel_loop3A_367, %parallel_loop3A_361 : vector<16xf32>
        %parallel_loop3A_371 = arith.mulf %parallel_loop3A_368, %parallel_loop3A_368 : vector<16xf32>
        %parallel_loop3A_372 = arith.addf %parallel_loop3A_347, %parallel_loop3A_371 : vector<16xf32>
        %parallel_loop3A_373 = arith.mulf %parallel_loop3A_369, %parallel_loop3A_369 : vector<16xf32>
        %parallel_loop3A_374 = arith.addf %parallel_loop3A_349, %parallel_loop3A_373 : vector<16xf32>
        %parallel_loop3A_375 = arith.mulf %parallel_loop3A_370, %parallel_loop3A_370 : vector<16xf32>
        %parallel_loop3A_376 = arith.addf %parallel_loop3A_351, %parallel_loop3A_375 : vector<16xf32>
        %parallel_loop3A_377 = arith.index_cast %parallel_loop3A_199 : i32 to index
        %parallel_loop3A_378 = arith.constant 112 : index
        %parallel_loop3A_379 = tpu.vector_load %arg6[%parallel_loop3A_377, %parallel_loop3A_378] {strides = array<i32>} : memref<192x128xf32, #tpu.memory_space<vmem>>, vector<1x16xf32>,
        %parallel_loop3A_380 = vector.shape_cast %parallel_loop3A_379 : vector<1x16xf32> to vector<16xf32>
        %parallel_loop3A_381 = arith.constant 1 : i32
        %parallel_loop3A_382 = arith.addi %parallel_loop3A_199, %parallel_loop3A_381 : i32
        %parallel_loop3A_383 = arith.index_cast %parallel_loop3A_382 : i32 to index
        %parallel_loop3A_384 = arith.constant 112 : index
        %parallel_loop3A_385 = tpu.vector_load %arg6[%parallel_loop3A_383, %parallel_loop3A_384] {strides = array<i32>} : memref<192x128xf32, #tpu.memory_space<vmem>>, vector<1x16xf32>,
        %parallel_loop3A_386 = vector.shape_cast %parallel_loop3A_385 : vector<1x16xf32> to vector<16xf32>
        %parallel_loop3A_387 = arith.constant 2 : i32
        %parallel_loop3A_388 = arith.addi %parallel_loop3A_199, %parallel_loop3A_387 : i32
        %parallel_loop3A_389 = arith.index_cast %parallel_loop3A_388 : i32 to index
        %parallel_loop3A_390 = arith.constant 112 : index
        %parallel_loop3A_391 = tpu.vector_load %arg6[%parallel_loop3A_389, %parallel_loop3A_390] {strides = array<i32>} : memref<192x128xf32, #tpu.memory_space<vmem>>, vector<1x16xf32>,
        %parallel_loop3A_392 = vector.shape_cast %parallel_loop3A_391 : vector<1x16xf32> to vector<16xf32>
        %parallel_loop3A_393 = arith.subf %parallel_loop3A_380, %parallel_loop3A_386 : vector<16xf32>
        %parallel_loop3A_394 = arith.subf %parallel_loop3A_380, %parallel_loop3A_392 : vector<16xf32>
        %parallel_loop3A_395 = arith.subf %parallel_loop3A_392, %parallel_loop3A_386 : vector<16xf32>
        %parallel_loop3A_396 = arith.mulf %parallel_loop3A_393, %parallel_loop3A_393 : vector<16xf32>
        %parallel_loop3A_397 = arith.addf %parallel_loop3A_372, %parallel_loop3A_396 : vector<16xf32>
        %parallel_loop3A_398 = arith.mulf %parallel_loop3A_394, %parallel_loop3A_394 : vector<16xf32>
        %parallel_loop3A_399 = arith.addf %parallel_loop3A_374, %parallel_loop3A_398 : vector<16xf32>
        %parallel_loop3A_400 = arith.mulf %parallel_loop3A_395, %parallel_loop3A_395 : vector<16xf32>
        %parallel_loop3A_401 = arith.addf %parallel_loop3A_376, %parallel_loop3A_400 : vector<16xf32>
        %parallel_loop3A_402 = arith.index_cast %parallel_loop3A_197 : i32 to index
        %parallel_loop3A_403 = arith.constant 0 : index
        %parallel_loop3A_404 = tpu.vector_load %arg8[%parallel_loop3A_402, %parallel_loop3A_403] {strides = array<i32>} : memref<64x48xf32, #tpu.memory_space<vmem>>, vector<1x16xf32>,
        %parallel_loop3A_405 = vector.shape_cast %parallel_loop3A_404 : vector<1x16xf32> to vector<16xf32>
        %parallel_loop3A_406 = vector.shape_cast %parallel_loop3A_397 : vector<16xf32> to vector<1x16xf32>
        tpu.vector_store %arg8[%parallel_loop3A_402, %parallel_loop3A_403], %parallel_loop3A_406 {strides = array<i32>} : memref<64x48xf32, #tpu.memory_space<vmem>>, vector<1x16xf32>,
        %parallel_loop3A_407 = arith.index_cast %parallel_loop3A_197 : i32 to index
        %parallel_loop3A_408 = arith.constant 16 : index
        %parallel_loop3A_409 = tpu.vector_load %arg8[%parallel_loop3A_407, %parallel_loop3A_408] {strides = array<i32>} : memref<64x48xf32, #tpu.memory_space<vmem>>, vector<1x16xf32>,
        %parallel_loop3A_410 = vector.shape_cast %parallel_loop3A_409 : vector<1x16xf32> to vector<16xf32>
        %parallel_loop3A_411 = vector.shape_cast %parallel_loop3A_399 : vector<16xf32> to vector<1x16xf32>
        tpu.vector_store %arg8[%parallel_loop3A_407, %parallel_loop3A_408], %parallel_loop3A_411 {strides = array<i32>} : memref<64x48xf32, #tpu.memory_space<vmem>>, vector<1x16xf32>,
        %parallel_loop3A_412 = arith.index_cast %parallel_loop3A_197 : i32 to index
        %parallel_loop3A_413 = arith.constant 32 : index
        %parallel_loop3A_414 = tpu.vector_load %arg8[%parallel_loop3A_412, %parallel_loop3A_413] {strides = array<i32>} : memref<64x48xf32, #tpu.memory_space<vmem>>, vector<1x16xf32>,
        %parallel_loop3A_415 = vector.shape_cast %parallel_loop3A_414 : vector<1x16xf32> to vector<16xf32>
        %parallel_loop3A_416 = vector.shape_cast %parallel_loop3A_401 : vector<16xf32> to vector<1x16xf32>
        tpu.vector_store %arg8[%parallel_loop3A_412, %parallel_loop3A_413], %parallel_loop3A_416 {strides = array<i32>} : memref<64x48xf32, #tpu.memory_space<vmem>>, vector<1x16xf32>,
      } {sc.loop_unroll_factor = 2 : i64, sc.parallel_access}
      %mul3A_105 = arith.constant 6400 : i32
      %mul3A_106 = arith.muli %add3A, %mul3A_105 : i32
      %mul3A_107 = arith.constant 64 : i32
      %mul3A_108 = arith.muli %mul3A_84, %mul3A_107 : i32
      %add3A_109 = arith.addi %mul3A_106, %mul3A_108 : i32
      %dma_start3A_110 = arith.constant 0 : i32
      %dma_start3A_111 = tpu.memref_slice %arg4[%add3A_109, %dma_start3A_110] : memref<204800x48xf32, #tpu.memory_space<hbm>> -> memref<64x48xf32, #tpu.memory_space<hbm>>
      %dma_start3A_112 = arith.constant 0 : i32
      %dma_start3A_113 = tpu.memref_slice %arg4[%add3A_109, %dma_start3A_112] : memref<204800x48xf32, #tpu.memory_space<hbm>> -> memref<64x48xf32, #tpu.memory_space<hbm>>
      tpu.enqueue_dma source(%arg8 : memref<64x48xf32, #tpu.memory_space<vmem>>) target(%dma_start3A_113 : memref<64x48xf32, #tpu.memory_space<hbm>>) target_semaphore(%arg12 : memref<!tpu.dma_semaphore, #tpu.memory_space<semaphore_mem>>)
      %add3A_114 = arith.constant 2 : i32
      %add3A_115 = arith.addi %mul3A_84, %add3A_114 : i32
      %mul3A_116 = arith.constant 192 : i32
      %mul3A_117 = arith.muli %add3A_115, %mul3A_116 : i32
      %add3A_118 = arith.constant 0 : i32
      %add3A_119 = arith.addi %mul3A_117, %add3A_118 : i32
      %dma_start3A_120 = arith.constant 0 : i32
      %dma_start3A_121 = arith.constant 0 : i32
      %dma_start3A_122 = tpu.memref_slice %arg6[%dma_start3A_120, %dma_start3A_121] : memref<192x128xf32, #tpu.memory_space<vmem>> -> memref<96x128xf32, #tpu.memory_space<vmem>>
      %dma_start3A_123 = tpu.memref_slice %arg5[%add3A_119] : memref<19584xi32, #tpu.memory_space<vmem>> -> memref<96xi32, #tpu.memory_space<vmem>>
      %dma_start3A_124 = arith.constant 0 : i32
      %dma_start3A_125 = arith.constant 0 : i32
      %dma_start3A_126 = tpu.memref_slice %arg2[%dma_start3A_124, %dma_start3A_125] : memref<100000x128xf32, #tpu.memory_space<hbm>> -> memref<100000x128xf32, #tpu.memory_space<hbm>>
      tpu.enqueue_indirect_dma source(%dma_start3A_126 : memref<100000x128xf32, #tpu.memory_space<hbm>>) target(%dma_start3A_122 : memref<96x128xf32, #tpu.memory_space<vmem>>) offsets(%dma_start3A_123 : memref<96xi32, #tpu.memory_space<vmem>>) semaphore(%arg10 : memref<!tpu.dma_semaphore, #tpu.memory_space<semaphore_mem>>)
      %mul3A_127 = arith.constant 192 : i32
      %mul3A_128 = arith.muli %add3A_115, %mul3A_127 : i32
      %add3A_129 = arith.constant 96 : i32
      %add3A_130 = arith.addi %mul3A_128, %add3A_129 : i32
      %dma_start3A_131 = arith.constant 96 : i32
      %dma_start3A_132 = arith.constant 0 : i32
      %dma_start3A_133 = tpu.memref_slice %arg6[%dma_start3A_131, %dma_start3A_132] : memref<192x128xf32, #tpu.memory_space<vmem>> -> memref<96x128xf32, #tpu.memory_space<vmem>>
      %dma_start3A_134 = tpu.memref_slice %arg5[%add3A_130] : memref<19584xi32, #tpu.memory_space<vmem>> -> memref<96xi32, #tpu.memory_space<vmem>>
      %dma_start3A_135 = arith.constant 0 : i32
      %dma_start3A_136 = arith.constant 0 : i32
      %dma_start3A_137 = tpu.memref_slice %arg2[%dma_start3A_135, %dma_start3A_136] : memref<100000x128xf32, #tpu.memory_space<hbm>> -> memref<100000x128xf32, #tpu.memory_space<hbm>>
      tpu.enqueue_indirect_dma source(%dma_start3A_137 : memref<100000x128xf32, #tpu.memory_space<hbm>>) target(%dma_start3A_133 : memref<96x128xf32, #tpu.memory_space<vmem>>) offsets(%dma_start3A_134 : memref<96xi32, #tpu.memory_space<vmem>>) semaphore(%arg10 : memref<!tpu.dma_semaphore, #tpu.memory_space<semaphore_mem>>)
      %dma_wait3A_138 = arith.constant 0 : i32
      %dma_wait3A_139 = arith.constant 0 : i32
      %dma_wait3A_140 = tpu.memref_slice %arg7[%dma_wait3A_138, %dma_wait3A_139] : memref<192x128xf32, #tpu.memory_space<vmem>> -> memref<96x128xf32, #tpu.memory_space<vmem>>
      %dma_wait3A_141 = arith.constant 0 : i32
      %dma_wait3A_142 = tpu.memref_slice %arg5[%dma_wait3A_141] : memref<19584xi32, #tpu.memory_space<vmem>> -> memref<96xi32, #tpu.memory_space<vmem>>
      %dma_wait3A_143 = arith.constant 0 : i32
      %dma_wait3A_144 = arith.constant 0 : i32
      %dma_wait3A_145 = tpu.memref_slice %arg2[%dma_wait3A_143, %dma_wait3A_144] : memref<100000x128xf32, #tpu.memory_space<hbm>> -> memref<100000x128xf32, #tpu.memory_space<hbm>>
      tpu.wait_indirect_dma semaphore(%arg11 : memref<!tpu.dma_semaphore, #tpu.memory_space<semaphore_mem>>) src(%dma_wait3A_145 : memref<100000x128xf32, #tpu.memory_space<hbm>>) dst(%dma_wait3A_140 : memref<96x128xf32, #tpu.memory_space<vmem>>)
      %dma_wait3A_146 = arith.constant 96 : i32
      %dma_wait3A_147 = arith.constant 0 : i32
      %dma_wait3A_148 = tpu.memref_slice %arg7[%dma_wait3A_146, %dma_wait3A_147] : memref<192x128xf32, #tpu.memory_space<vmem>> -> memref<96x128xf32, #tpu.memory_space<vmem>>
      %dma_wait3A_149 = arith.constant 96 : i32
      %dma_wait3A_150 = tpu.memref_slice %arg5[%dma_wait3A_149] : memref<19584xi32, #tpu.memory_space<vmem>> -> memref<96xi32, #tpu.memory_space<vmem>>
      %dma_wait3A_151 = arith.constant 0 : i32
      %dma_wait3A_152 = arith.constant 0 : i32
      %dma_wait3A_153 = tpu.memref_slice %arg2[%dma_wait3A_151, %dma_wait3A_152] : memref<100000x128xf32, #tpu.memory_space<hbm>> -> memref<100000x128xf32, #tpu.memory_space<hbm>>
      tpu.wait_indirect_dma semaphore(%arg11 : memref<!tpu.dma_semaphore, #tpu.memory_space<semaphore_mem>>) src(%dma_wait3A_153 : memref<100000x128xf32, #tpu.memory_space<hbm>>) dst(%dma_wait3A_148 : memref<96x128xf32, #tpu.memory_space<vmem>>)
      %gt3A_154 = arith.constant 0 : i32
      %gt3A_155 = arith.cmpi sgt, %scan3A_82, %gt3A_154 : i32
      %convert_element_type3A_156 = arith.extui %gt3A_155 : i1 to i32
      %cond3A_157 = arith.constant 0 : i32
      %cond3A_158 = arith.cmpi ne, %convert_element_type3A_156, %cond3A_157 : i32
      scf.if %cond3A_158 {
        %dma_wait3A_197 = arith.constant 0 : i32
        %dma_wait3A_198 = arith.constant 0 : i32
        %dma_wait3A_199 = tpu.memref_slice %arg4[%dma_wait3A_197, %dma_wait3A_198] : memref<204800x48xf32, #tpu.memory_space<hbm>> -> memref<64x48xf32, #tpu.memory_space<hbm>>
        %dma_wait3A_200 = arith.constant 0 : i32
        %dma_wait3A_201 = arith.constant 0 : i32
        %dma_wait3A_202 = tpu.memref_slice %arg4[%dma_wait3A_200, %dma_wait3A_201] : memref<204800x48xf32, #tpu.memory_space<hbm>> -> memref<64x48xf32, #tpu.memory_space<hbm>>
        tpu.wait_dma2 semaphore(%arg13 : memref<!tpu.dma_semaphore, #tpu.memory_space<semaphore_mem>>) src(%arg9 : memref<64x48xf32, #tpu.memory_space<vmem>>) dst(%dma_wait3A_202 : memref<64x48xf32, #tpu.memory_space<hbm>>)
      } else {
      }
      %add3A_159 = arith.constant 1 : i32
      %add3A_160 = arith.addi %mul3A_84, %add3A_159 : i32
      %parallel_loop3A_161 = arith.constant 0 : i32
      %parallel_loop3A_162 = arith.constant 64 : i32
      %parallel_loop3A_163 = arith.constant 1 : i32
      scf.for %parallel_loop3A_197 = %parallel_loop3A_161 to %parallel_loop3A_162 step %parallel_loop3A_163  : i32 {
        %parallel_loop3A_198 = arith.constant 3 : i32
        %parallel_loop3A_199 = arith.muli %parallel_loop3A_198, %parallel_loop3A_197 : i32
        %parallel_loop3A_200 = arith.constant 0.000000e+00 : f32
        %parallel_loop3A_201 = vector.broadcast %parallel_loop3A_200 : f32 to vector<16xf32>
        %parallel_loop3A_202 = arith.index_cast %parallel_loop3A_199 : i32 to index
        %parallel_loop3A_203 = arith.constant 0 : index
        %parallel_loop3A_204 = tpu.vector_load %arg7[%parallel_loop3A_202, %parallel_loop3A_203] {strides = array<i32>} : memref<192x128xf32, #tpu.memory_space<vmem>>, vector<1x16xf32>,
        %parallel_loop3A_205 = vector.shape_cast %parallel_loop3A_204 : vector<1x16xf32> to vector<16xf32>
        %parallel_loop3A_206 = arith.constant 1 : i32
        %parallel_loop3A_207 = arith.addi %parallel_loop3A_199, %parallel_loop3A_206 : i32
        %parallel_loop3A_208 = arith.index_cast %parallel_loop3A_207 : i32 to index
        %parallel_loop3A_209 = arith.constant 0 : index
        %parallel_loop3A_210 = tpu.vector_load %arg7[%parallel_loop3A_208, %parallel_loop3A_209] {strides = array<i32>} : memref<192x128xf32, #tpu.memory_space<vmem>>, vector<1x16xf32>,
        %parallel_loop3A_211 = vector.shape_cast %parallel_loop3A_210 : vector<1x16xf32> to vector<16xf32>
        %parallel_loop3A_212 = arith.constant 2 : i32
        %parallel_loop3A_213 = arith.addi %parallel_loop3A_199, %parallel_loop3A_212 : i32
        %parallel_loop3A_214 = arith.index_cast %parallel_loop3A_213 : i32 to index
        %parallel_loop3A_215 = arith.constant 0 : index
        %parallel_loop3A_216 = tpu.vector_load %arg7[%parallel_loop3A_214, %parallel_loop3A_215] {strides = array<i32>} : memref<192x128xf32, #tpu.memory_space<vmem>>, vector<1x16xf32>,
        %parallel_loop3A_217 = vector.shape_cast %parallel_loop3A_216 : vector<1x16xf32> to vector<16xf32>
        %parallel_loop3A_218 = arith.subf %parallel_loop3A_205, %parallel_loop3A_211 : vector<16xf32>
        %parallel_loop3A_219 = arith.subf %parallel_loop3A_205, %parallel_loop3A_217 : vector<16xf32>
        %parallel_loop3A_220 = arith.subf %parallel_loop3A_217, %parallel_loop3A_211 : vector<16xf32>
        %parallel_loop3A_221 = arith.mulf %parallel_loop3A_218, %parallel_loop3A_218 : vector<16xf32>
        %parallel_loop3A_222 = arith.addf %parallel_loop3A_201, %parallel_loop3A_221 : vector<16xf32>
        %parallel_loop3A_223 = arith.mulf %parallel_loop3A_219, %parallel_loop3A_219 : vector<16xf32>
        %parallel_loop3A_224 = arith.addf %parallel_loop3A_201, %parallel_loop3A_223 : vector<16xf32>
        %parallel_loop3A_225 = arith.mulf %parallel_loop3A_220, %parallel_loop3A_220 : vector<16xf32>
        %parallel_loop3A_226 = arith.addf %parallel_loop3A_201, %parallel_loop3A_225 : vector<16xf32>
        %parallel_loop3A_227 = arith.index_cast %parallel_loop3A_199 : i32 to index
        %parallel_loop3A_228 = arith.constant 16 : index
        %parallel_loop3A_229 = tpu.vector_load %arg7[%parallel_loop3A_227, %parallel_loop3A_228] {strides = array<i32>} : memref<192x128xf32, #tpu.memory_space<vmem>>, vector<1x16xf32>,
        %parallel_loop3A_230 = vector.shape_cast %parallel_loop3A_229 : vector<1x16xf32> to vector<16xf32>
        %parallel_loop3A_231 = arith.constant 1 : i32
        %parallel_loop3A_232 = arith.addi %parallel_loop3A_199, %parallel_loop3A_231 : i32
        %parallel_loop3A_233 = arith.index_cast %parallel_loop3A_232 : i32 to index
        %parallel_loop3A_234 = arith.constant 16 : index
        %parallel_loop3A_235 = tpu.vector_load %arg7[%parallel_loop3A_233, %parallel_loop3A_234] {strides = array<i32>} : memref<192x128xf32, #tpu.memory_space<vmem>>, vector<1x16xf32>,
        %parallel_loop3A_236 = vector.shape_cast %parallel_loop3A_235 : vector<1x16xf32> to vector<16xf32>
        %parallel_loop3A_237 = arith.constant 2 : i32
        %parallel_loop3A_238 = arith.addi %parallel_loop3A_199, %parallel_loop3A_237 : i32
        %parallel_loop3A_239 = arith.index_cast %parallel_loop3A_238 : i32 to index
        %parallel_loop3A_240 = arith.constant 16 : index
        %parallel_loop3A_241 = tpu.vector_load %arg7[%parallel_loop3A_239, %parallel_loop3A_240] {strides = array<i32>} : memref<192x128xf32, #tpu.memory_space<vmem>>, vector<1x16xf32>,
        %parallel_loop3A_242 = vector.shape_cast %parallel_loop3A_241 : vector<1x16xf32> to vector<16xf32>
        %parallel_loop3A_243 = arith.subf %parallel_loop3A_230, %parallel_loop3A_236 : vector<16xf32>
        %parallel_loop3A_244 = arith.subf %parallel_loop3A_230, %parallel_loop3A_242 : vector<16xf32>
        %parallel_loop3A_245 = arith.subf %parallel_loop3A_242, %parallel_loop3A_236 : vector<16xf32>
        %parallel_loop3A_246 = arith.mulf %parallel_loop3A_243, %parallel_loop3A_243 : vector<16xf32>
        %parallel_loop3A_247 = arith.addf %parallel_loop3A_222, %parallel_loop3A_246 : vector<16xf32>
        %parallel_loop3A_248 = arith.mulf %parallel_loop3A_244, %parallel_loop3A_244 : vector<16xf32>
        %parallel_loop3A_249 = arith.addf %parallel_loop3A_224, %parallel_loop3A_248 : vector<16xf32>
        %parallel_loop3A_250 = arith.mulf %parallel_loop3A_245, %parallel_loop3A_245 : vector<16xf32>
        %parallel_loop3A_251 = arith.addf %parallel_loop3A_226, %parallel_loop3A_250 : vector<16xf32>
        %parallel_loop3A_252 = arith.index_cast %parallel_loop3A_199 : i32 to index
        %parallel_loop3A_253 = arith.constant 32 : index
        %parallel_loop3A_254 = tpu.vector_load %arg7[%parallel_loop3A_252, %parallel_loop3A_253] {strides = array<i32>} : memref<192x128xf32, #tpu.memory_space<vmem>>, vector<1x16xf32>,
        %parallel_loop3A_255 = vector.shape_cast %parallel_loop3A_254 : vector<1x16xf32> to vector<16xf32>
        %parallel_loop3A_256 = arith.constant 1 : i32
        %parallel_loop3A_257 = arith.addi %parallel_loop3A_199, %parallel_loop3A_256 : i32
        %parallel_loop3A_258 = arith.index_cast %parallel_loop3A_257 : i32 to index
        %parallel_loop3A_259 = arith.constant 32 : index
        %parallel_loop3A_260 = tpu.vector_load %arg7[%parallel_loop3A_258, %parallel_loop3A_259] {strides = array<i32>} : memref<192x128xf32, #tpu.memory_space<vmem>>, vector<1x16xf32>,
        %parallel_loop3A_261 = vector.shape_cast %parallel_loop3A_260 : vector<1x16xf32> to vector<16xf32>
        %parallel_loop3A_262 = arith.constant 2 : i32
        %parallel_loop3A_263 = arith.addi %parallel_loop3A_199, %parallel_loop3A_262 : i32
        %parallel_loop3A_264 = arith.index_cast %parallel_loop3A_263 : i32 to index
        %parallel_loop3A_265 = arith.constant 32 : index
        %parallel_loop3A_266 = tpu.vector_load %arg7[%parallel_loop3A_264, %parallel_loop3A_265] {strides = array<i32>} : memref<192x128xf32, #tpu.memory_space<vmem>>, vector<1x16xf32>,
        %parallel_loop3A_267 = vector.shape_cast %parallel_loop3A_266 : vector<1x16xf32> to vector<16xf32>
        %parallel_loop3A_268 = arith.subf %parallel_loop3A_255, %parallel_loop3A_261 : vector<16xf32>
        %parallel_loop3A_269 = arith.subf %parallel_loop3A_255, %parallel_loop3A_267 : vector<16xf32>
        %parallel_loop3A_270 = arith.subf %parallel_loop3A_267, %parallel_loop3A_261 : vector<16xf32>
        %parallel_loop3A_271 = arith.mulf %parallel_loop3A_268, %parallel_loop3A_268 : vector<16xf32>
        %parallel_loop3A_272 = arith.addf %parallel_loop3A_247, %parallel_loop3A_271 : vector<16xf32>
        %parallel_loop3A_273 = arith.mulf %parallel_loop3A_269, %parallel_loop3A_269 : vector<16xf32>
        %parallel_loop3A_274 = arith.addf %parallel_loop3A_249, %parallel_loop3A_273 : vector<16xf32>
        %parallel_loop3A_275 = arith.mulf %parallel_loop3A_270, %parallel_loop3A_270 : vector<16xf32>
        %parallel_loop3A_276 = arith.addf %parallel_loop3A_251, %parallel_loop3A_275 : vector<16xf32>
        %parallel_loop3A_277 = arith.index_cast %parallel_loop3A_199 : i32 to index
        %parallel_loop3A_278 = arith.constant 48 : index
        %parallel_loop3A_279 = tpu.vector_load %arg7[%parallel_loop3A_277, %parallel_loop3A_278] {strides = array<i32>} : memref<192x128xf32, #tpu.memory_space<vmem>>, vector<1x16xf32>,
        %parallel_loop3A_280 = vector.shape_cast %parallel_loop3A_279 : vector<1x16xf32> to vector<16xf32>
        %parallel_loop3A_281 = arith.constant 1 : i32
        %parallel_loop3A_282 = arith.addi %parallel_loop3A_199, %parallel_loop3A_281 : i32
        %parallel_loop3A_283 = arith.index_cast %parallel_loop3A_282 : i32 to index
        %parallel_loop3A_284 = arith.constant 48 : index
        %parallel_loop3A_285 = tpu.vector_load %arg7[%parallel_loop3A_283, %parallel_loop3A_284] {strides = array<i32>} : memref<192x128xf32, #tpu.memory_space<vmem>>, vector<1x16xf32>,
        %parallel_loop3A_286 = vector.shape_cast %parallel_loop3A_285 : vector<1x16xf32> to vector<16xf32>
        %parallel_loop3A_287 = arith.constant 2 : i32
        %parallel_loop3A_288 = arith.addi %parallel_loop3A_199, %parallel_loop3A_287 : i32
        %parallel_loop3A_289 = arith.index_cast %parallel_loop3A_288 : i32 to index
        %parallel_loop3A_290 = arith.constant 48 : index
        %parallel_loop3A_291 = tpu.vector_load %arg7[%parallel_loop3A_289, %parallel_loop3A_290] {strides = array<i32>} : memref<192x128xf32, #tpu.memory_space<vmem>>, vector<1x16xf32>,
        %parallel_loop3A_292 = vector.shape_cast %parallel_loop3A_291 : vector<1x16xf32> to vector<16xf32>
        %parallel_loop3A_293 = arith.subf %parallel_loop3A_280, %parallel_loop3A_286 : vector<16xf32>
        %parallel_loop3A_294 = arith.subf %parallel_loop3A_280, %parallel_loop3A_292 : vector<16xf32>
        %parallel_loop3A_295 = arith.subf %parallel_loop3A_292, %parallel_loop3A_286 : vector<16xf32>
        %parallel_loop3A_296 = arith.mulf %parallel_loop3A_293, %parallel_loop3A_293 : vector<16xf32>
        %parallel_loop3A_297 = arith.addf %parallel_loop3A_272, %parallel_loop3A_296 : vector<16xf32>
        %parallel_loop3A_298 = arith.mulf %parallel_loop3A_294, %parallel_loop3A_294 : vector<16xf32>
        %parallel_loop3A_299 = arith.addf %parallel_loop3A_274, %parallel_loop3A_298 : vector<16xf32>
        %parallel_loop3A_300 = arith.mulf %parallel_loop3A_295, %parallel_loop3A_295 : vector<16xf32>
        %parallel_loop3A_301 = arith.addf %parallel_loop3A_276, %parallel_loop3A_300 : vector<16xf32>
        %parallel_loop3A_302 = arith.index_cast %parallel_loop3A_199 : i32 to index
        %parallel_loop3A_303 = arith.constant 64 : index
        %parallel_loop3A_304 = tpu.vector_load %arg7[%parallel_loop3A_302, %parallel_loop3A_303] {strides = array<i32>} : memref<192x128xf32, #tpu.memory_space<vmem>>, vector<1x16xf32>,
        %parallel_loop3A_305 = vector.shape_cast %parallel_loop3A_304 : vector<1x16xf32> to vector<16xf32>
        %parallel_loop3A_306 = arith.constant 1 : i32
        %parallel_loop3A_307 = arith.addi %parallel_loop3A_199, %parallel_loop3A_306 : i32
        %parallel_loop3A_308 = arith.index_cast %parallel_loop3A_307 : i32 to index
        %parallel_loop3A_309 = arith.constant 64 : index
        %parallel_loop3A_310 = tpu.vector_load %arg7[%parallel_loop3A_308, %parallel_loop3A_309] {strides = array<i32>} : memref<192x128xf32, #tpu.memory_space<vmem>>, vector<1x16xf32>,
        %parallel_loop3A_311 = vector.shape_cast %parallel_loop3A_310 : vector<1x16xf32> to vector<16xf32>
        %parallel_loop3A_312 = arith.constant 2 : i32
        %parallel_loop3A_313 = arith.addi %parallel_loop3A_199, %parallel_loop3A_312 : i32
        %parallel_loop3A_314 = arith.index_cast %parallel_loop3A_313 : i32 to index
        %parallel_loop3A_315 = arith.constant 64 : index
        %parallel_loop3A_316 = tpu.vector_load %arg7[%parallel_loop3A_314, %parallel_loop3A_315] {strides = array<i32>} : memref<192x128xf32, #tpu.memory_space<vmem>>, vector<1x16xf32>,
        %parallel_loop3A_317 = vector.shape_cast %parallel_loop3A_316 : vector<1x16xf32> to vector<16xf32>
        %parallel_loop3A_318 = arith.subf %parallel_loop3A_305, %parallel_loop3A_311 : vector<16xf32>
        %parallel_loop3A_319 = arith.subf %parallel_loop3A_305, %parallel_loop3A_317 : vector<16xf32>
        %parallel_loop3A_320 = arith.subf %parallel_loop3A_317, %parallel_loop3A_311 : vector<16xf32>
        %parallel_loop3A_321 = arith.mulf %parallel_loop3A_318, %parallel_loop3A_318 : vector<16xf32>
        %parallel_loop3A_322 = arith.addf %parallel_loop3A_297, %parallel_loop3A_321 : vector<16xf32>
        %parallel_loop3A_323 = arith.mulf %parallel_loop3A_319, %parallel_loop3A_319 : vector<16xf32>
        %parallel_loop3A_324 = arith.addf %parallel_loop3A_299, %parallel_loop3A_323 : vector<16xf32>
        %parallel_loop3A_325 = arith.mulf %parallel_loop3A_320, %parallel_loop3A_320 : vector<16xf32>
        %parallel_loop3A_326 = arith.addf %parallel_loop3A_301, %parallel_loop3A_325 : vector<16xf32>
        %parallel_loop3A_327 = arith.index_cast %parallel_loop3A_199 : i32 to index
        %parallel_loop3A_328 = arith.constant 80 : index
        %parallel_loop3A_329 = tpu.vector_load %arg7[%parallel_loop3A_327, %parallel_loop3A_328] {strides = array<i32>} : memref<192x128xf32, #tpu.memory_space<vmem>>, vector<1x16xf32>,
        %parallel_loop3A_330 = vector.shape_cast %parallel_loop3A_329 : vector<1x16xf32> to vector<16xf32>
        %parallel_loop3A_331 = arith.constant 1 : i32
        %parallel_loop3A_332 = arith.addi %parallel_loop3A_199, %parallel_loop3A_331 : i32
        %parallel_loop3A_333 = arith.index_cast %parallel_loop3A_332 : i32 to index
        %parallel_loop3A_334 = arith.constant 80 : index
        %parallel_loop3A_335 = tpu.vector_load %arg7[%parallel_loop3A_333, %parallel_loop3A_334] {strides = array<i32>} : memref<192x128xf32, #tpu.memory_space<vmem>>, vector<1x16xf32>,
        %parallel_loop3A_336 = vector.shape_cast %parallel_loop3A_335 : vector<1x16xf32> to vector<16xf32>
        %parallel_loop3A_337 = arith.constant 2 : i32
        %parallel_loop3A_338 = arith.addi %parallel_loop3A_199, %parallel_loop3A_337 : i32
        %parallel_loop3A_339 = arith.index_cast %parallel_loop3A_338 : i32 to index
        %parallel_loop3A_340 = arith.constant 80 : index
        %parallel_loop3A_341 = tpu.vector_load %arg7[%parallel_loop3A_339, %parallel_loop3A_340] {strides = array<i32>} : memref<192x128xf32, #tpu.memory_space<vmem>>, vector<1x16xf32>,
        %parallel_loop3A_342 = vector.shape_cast %parallel_loop3A_341 : vector<1x16xf32> to vector<16xf32>
        %parallel_loop3A_343 = arith.subf %parallel_loop3A_330, %parallel_loop3A_336 : vector<16xf32>
        %parallel_loop3A_344 = arith.subf %parallel_loop3A_330, %parallel_loop3A_342 : vector<16xf32>
        %parallel_loop3A_345 = arith.subf %parallel_loop3A_342, %parallel_loop3A_336 : vector<16xf32>
        %parallel_loop3A_346 = arith.mulf %parallel_loop3A_343, %parallel_loop3A_343 : vector<16xf32>
        %parallel_loop3A_347 = arith.addf %parallel_loop3A_322, %parallel_loop3A_346 : vector<16xf32>
        %parallel_loop3A_348 = arith.mulf %parallel_loop3A_344, %parallel_loop3A_344 : vector<16xf32>
        %parallel_loop3A_349 = arith.addf %parallel_loop3A_324, %parallel_loop3A_348 : vector<16xf32>
        %parallel_loop3A_350 = arith.mulf %parallel_loop3A_345, %parallel_loop3A_345 : vector<16xf32>
        %parallel_loop3A_351 = arith.addf %parallel_loop3A_326, %parallel_loop3A_350 : vector<16xf32>
        %parallel_loop3A_352 = arith.index_cast %parallel_loop3A_199 : i32 to index
        %parallel_loop3A_353 = arith.constant 96 : index
        %parallel_loop3A_354 = tpu.vector_load %arg7[%parallel_loop3A_352, %parallel_loop3A_353] {strides = array<i32>} : memref<192x128xf32, #tpu.memory_space<vmem>>, vector<1x16xf32>,
        %parallel_loop3A_355 = vector.shape_cast %parallel_loop3A_354 : vector<1x16xf32> to vector<16xf32>
        %parallel_loop3A_356 = arith.constant 1 : i32
        %parallel_loop3A_357 = arith.addi %parallel_loop3A_199, %parallel_loop3A_356 : i32
        %parallel_loop3A_358 = arith.index_cast %parallel_loop3A_357 : i32 to index
        %parallel_loop3A_359 = arith.constant 96 : index
        %parallel_loop3A_360 = tpu.vector_load %arg7[%parallel_loop3A_358, %parallel_loop3A_359] {strides = array<i32>} : memref<192x128xf32, #tpu.memory_space<vmem>>, vector<1x16xf32>,
        %parallel_loop3A_361 = vector.shape_cast %parallel_loop3A_360 : vector<1x16xf32> to vector<16xf32>
        %parallel_loop3A_362 = arith.constant 2 : i32
        %parallel_loop3A_363 = arith.addi %parallel_loop3A_199, %parallel_loop3A_362 : i32
        %parallel_loop3A_364 = arith.index_cast %parallel_loop3A_363 : i32 to index
        %parallel_loop3A_365 = arith.constant 96 : index
        %parallel_loop3A_366 = tpu.vector_load %arg7[%parallel_loop3A_364, %parallel_loop3A_365] {strides = array<i32>} : memref<192x128xf32, #tpu.memory_space<vmem>>, vector<1x16xf32>,
        %parallel_loop3A_367 = vector.shape_cast %parallel_loop3A_366 : vector<1x16xf32> to vector<16xf32>
        %parallel_loop3A_368 = arith.subf %parallel_loop3A_355, %parallel_loop3A_361 : vector<16xf32>
        %parallel_loop3A_369 = arith.subf %parallel_loop3A_355, %parallel_loop3A_367 : vector<16xf32>
        %parallel_loop3A_370 = arith.subf %parallel_loop3A_367, %parallel_loop3A_361 : vector<16xf32>
        %parallel_loop3A_371 = arith.mulf %parallel_loop3A_368, %parallel_loop3A_368 : vector<16xf32>
        %parallel_loop3A_372 = arith.addf %parallel_loop3A_347, %parallel_loop3A_371 : vector<16xf32>
        %parallel_loop3A_373 = arith.mulf %parallel_loop3A_369, %parallel_loop3A_369 : vector<16xf32>
        %parallel_loop3A_374 = arith.addf %parallel_loop3A_349, %parallel_loop3A_373 : vector<16xf32>
        %parallel_loop3A_375 = arith.mulf %parallel_loop3A_370, %parallel_loop3A_370 : vector<16xf32>
        %parallel_loop3A_376 = arith.addf %parallel_loop3A_351, %parallel_loop3A_375 : vector<16xf32>
        %parallel_loop3A_377 = arith.index_cast %parallel_loop3A_199 : i32 to index
        %parallel_loop3A_378 = arith.constant 112 : index
        %parallel_loop3A_379 = tpu.vector_load %arg7[%parallel_loop3A_377, %parallel_loop3A_378] {strides = array<i32>} : memref<192x128xf32, #tpu.memory_space<vmem>>, vector<1x16xf32>,
        %parallel_loop3A_380 = vector.shape_cast %parallel_loop3A_379 : vector<1x16xf32> to vector<16xf32>
        %parallel_loop3A_381 = arith.constant 1 : i32
        %parallel_loop3A_382 = arith.addi %parallel_loop3A_199, %parallel_loop3A_381 : i32
        %parallel_loop3A_383 = arith.index_cast %parallel_loop3A_382 : i32 to index
        %parallel_loop3A_384 = arith.constant 112 : index
        %parallel_loop3A_385 = tpu.vector_load %arg7[%parallel_loop3A_383, %parallel_loop3A_384] {strides = array<i32>} : memref<192x128xf32, #tpu.memory_space<vmem>>, vector<1x16xf32>,
        %parallel_loop3A_386 = vector.shape_cast %parallel_loop3A_385 : vector<1x16xf32> to vector<16xf32>
        %parallel_loop3A_387 = arith.constant 2 : i32
        %parallel_loop3A_388 = arith.addi %parallel_loop3A_199, %parallel_loop3A_387 : i32
        %parallel_loop3A_389 = arith.index_cast %parallel_loop3A_388 : i32 to index
        %parallel_loop3A_390 = arith.constant 112 : index
        %parallel_loop3A_391 = tpu.vector_load %arg7[%parallel_loop3A_389, %parallel_loop3A_390] {strides = array<i32>} : memref<192x128xf32, #tpu.memory_space<vmem>>, vector<1x16xf32>,
        %parallel_loop3A_392 = vector.shape_cast %parallel_loop3A_391 : vector<1x16xf32> to vector<16xf32>
        %parallel_loop3A_393 = arith.subf %parallel_loop3A_380, %parallel_loop3A_386 : vector<16xf32>
        %parallel_loop3A_394 = arith.subf %parallel_loop3A_380, %parallel_loop3A_392 : vector<16xf32>
        %parallel_loop3A_395 = arith.subf %parallel_loop3A_392, %parallel_loop3A_386 : vector<16xf32>
        %parallel_loop3A_396 = arith.mulf %parallel_loop3A_393, %parallel_loop3A_393 : vector<16xf32>
        %parallel_loop3A_397 = arith.addf %parallel_loop3A_372, %parallel_loop3A_396 : vector<16xf32>
        %parallel_loop3A_398 = arith.mulf %parallel_loop3A_394, %parallel_loop3A_394 : vector<16xf32>
        %parallel_loop3A_399 = arith.addf %parallel_loop3A_374, %parallel_loop3A_398 : vector<16xf32>
        %parallel_loop3A_400 = arith.mulf %parallel_loop3A_395, %parallel_loop3A_395 : vector<16xf32>
        %parallel_loop3A_401 = arith.addf %parallel_loop3A_376, %parallel_loop3A_400 : vector<16xf32>
        %parallel_loop3A_402 = arith.index_cast %parallel_loop3A_197 : i32 to index
        %parallel_loop3A_403 = arith.constant 0 : index
        %parallel_loop3A_404 = tpu.vector_load %arg9[%parallel_loop3A_402, %parallel_loop3A_403] {strides = array<i32>} : memref<64x48xf32, #tpu.memory_space<vmem>>, vector<1x16xf32>,
        %parallel_loop3A_405 = vector.shape_cast %parallel_loop3A_404 : vector<1x16xf32> to vector<16xf32>
        %parallel_loop3A_406 = vector.shape_cast %parallel_loop3A_397 : vector<16xf32> to vector<1x16xf32>
        tpu.vector_store %arg9[%parallel_loop3A_402, %parallel_loop3A_403], %parallel_loop3A_406 {strides = array<i32>} : memref<64x48xf32, #tpu.memory_space<vmem>>, vector<1x16xf32>,
        %parallel_loop3A_407 = arith.index_cast %parallel_loop3A_197 : i32 to index
        %parallel_loop3A_408 = arith.constant 16 : index
        %parallel_loop3A_409 = tpu.vector_load %arg9[%parallel_loop3A_407, %parallel_loop3A_408] {strides = array<i32>} : memref<64x48xf32, #tpu.memory_space<vmem>>, vector<1x16xf32>,
        %parallel_loop3A_410 = vector.shape_cast %parallel_loop3A_409 : vector<1x16xf32> to vector<16xf32>
        %parallel_loop3A_411 = vector.shape_cast %parallel_loop3A_399 : vector<16xf32> to vector<1x16xf32>
        tpu.vector_store %arg9[%parallel_loop3A_407, %parallel_loop3A_408], %parallel_loop3A_411 {strides = array<i32>} : memref<64x48xf32, #tpu.memory_space<vmem>>, vector<1x16xf32>,
        %parallel_loop3A_412 = arith.index_cast %parallel_loop3A_197 : i32 to index
        %parallel_loop3A_413 = arith.constant 32 : index
        %parallel_loop3A_414 = tpu.vector_load %arg9[%parallel_loop3A_412, %parallel_loop3A_413] {strides = array<i32>} : memref<64x48xf32, #tpu.memory_space<vmem>>, vector<1x16xf32>,
        %parallel_loop3A_415 = vector.shape_cast %parallel_loop3A_414 : vector<1x16xf32> to vector<16xf32>
        %parallel_loop3A_416 = vector.shape_cast %parallel_loop3A_401 : vector<16xf32> to vector<1x16xf32>
        tpu.vector_store %arg9[%parallel_loop3A_412, %parallel_loop3A_413], %parallel_loop3A_416 {strides = array<i32>} : memref<64x48xf32, #tpu.memory_space<vmem>>, vector<1x16xf32>,
      } {sc.loop_unroll_factor = 2 : i64, sc.parallel_access}
      %mul3A_164 = arith.constant 6400 : i32
      %mul3A_165 = arith.muli %add3A, %mul3A_164 : i32
      %mul3A_166 = arith.constant 64 : i32
      %mul3A_167 = arith.muli %add3A_160, %mul3A_166 : i32
      %add3A_168 = arith.addi %mul3A_165, %mul3A_167 : i32
      %dma_start3A_169 = arith.constant 0 : i32
      %dma_start3A_170 = tpu.memref_slice %arg4[%add3A_168, %dma_start3A_169] : memref<204800x48xf32, #tpu.memory_space<hbm>> -> memref<64x48xf32, #tpu.memory_space<hbm>>
      %dma_start3A_171 = arith.constant 0 : i32
      %dma_start3A_172 = tpu.memref_slice %arg4[%add3A_168, %dma_start3A_171] : memref<204800x48xf32, #tpu.memory_space<hbm>> -> memref<64x48xf32, #tpu.memory_space<hbm>>
      tpu.enqueue_dma source(%arg9 : memref<64x48xf32, #tpu.memory_space<vmem>>) target(%dma_start3A_172 : memref<64x48xf32, #tpu.memory_space<hbm>>) target_semaphore(%arg13 : memref<!tpu.dma_semaphore, #tpu.memory_space<semaphore_mem>>)
      %add3A_173 = arith.constant 3 : i32
      %add3A_174 = arith.addi %mul3A_84, %add3A_173 : i32
      %mul3A_175 = arith.constant 192 : i32
      %mul3A_176 = arith.muli %add3A_174, %mul3A_175 : i32
      %add3A_177 = arith.constant 0 : i32
      %add3A_178 = arith.addi %mul3A_176, %add3A_177 : i32
      %dma_start3A_179 = arith.constant 0 : i32
      %dma_start3A_180 = arith.constant 0 : i32
      %dma_start3A_181 = tpu.memref_slice %arg7[%dma_start3A_179, %dma_start3A_180] : memref<192x128xf32, #tpu.memory_space<vmem>> -> memref<96x128xf32, #tpu.memory_space<vmem>>
      %dma_start3A_182 = tpu.memref_slice %arg5[%add3A_178] : memref<19584xi32, #tpu.memory_space<vmem>> -> memref<96xi32, #tpu.memory_space<vmem>>
      %dma_start3A_183 = arith.constant 0 : i32
      %dma_start3A_184 = arith.constant 0 : i32
      %dma_start3A_185 = tpu.memref_slice %arg2[%dma_start3A_183, %dma_start3A_184] : memref<100000x128xf32, #tpu.memory_space<hbm>> -> memref<100000x128xf32, #tpu.memory_space<hbm>>
      tpu.enqueue_indirect_dma source(%dma_start3A_185 : memref<100000x128xf32, #tpu.memory_space<hbm>>) target(%dma_start3A_181 : memref<96x128xf32, #tpu.memory_space<vmem>>) offsets(%dma_start3A_182 : memref<96xi32, #tpu.memory_space<vmem>>) semaphore(%arg11 : memref<!tpu.dma_semaphore, #tpu.memory_space<semaphore_mem>>)
      %mul3A_186 = arith.constant 192 : i32
      %mul3A_187 = arith.muli %add3A_174, %mul3A_186 : i32
      %add3A_188 = arith.constant 96 : i32
      %add3A_189 = arith.addi %mul3A_187, %add3A_188 : i32
      %dma_start3A_190 = arith.constant 96 : i32
      %dma_start3A_191 = arith.constant 0 : i32
      %dma_start3A_192 = tpu.memref_slice %arg7[%dma_start3A_190, %dma_start3A_191] : memref<192x128xf32, #tpu.memory_space<vmem>> -> memref<96x128xf32, #tpu.memory_space<vmem>>
      %dma_start3A_193 = tpu.memref_slice %arg5[%add3A_189] : memref<19584xi32, #tpu.memory_space<vmem>> -> memref<96xi32, #tpu.memory_space<vmem>>
      %dma_start3A_194 = arith.constant 0 : i32
      %dma_start3A_195 = arith.constant 0 : i32
      %dma_start3A_196 = tpu.memref_slice %arg2[%dma_start3A_194, %dma_start3A_195] : memref<100000x128xf32, #tpu.memory_space<hbm>> -> memref<100000x128xf32, #tpu.memory_space<hbm>>
      tpu.enqueue_indirect_dma source(%dma_start3A_196 : memref<100000x128xf32, #tpu.memory_space<hbm>>) target(%dma_start3A_192 : memref<96x128xf32, #tpu.memory_space<vmem>>) offsets(%dma_start3A_193 : memref<96xi32, #tpu.memory_space<vmem>>) semaphore(%arg11 : memref<!tpu.dma_semaphore, #tpu.memory_space<semaphore_mem>>)
    }
    %scan3A_38 = arith.constant 50 : i32
    %dma_wait3A = arith.constant 0 : i32
    %dma_wait3A_39 = arith.constant 0 : i32
    %dma_wait3A_40 = tpu.memref_slice %arg6[%dma_wait3A, %dma_wait3A_39] : memref<192x128xf32, #tpu.memory_space<vmem>> -> memref<96x128xf32, #tpu.memory_space<vmem>>
    %dma_wait3A_41 = arith.constant 0 : i32
    %dma_wait3A_42 = tpu.memref_slice %arg5[%dma_wait3A_41] : memref<19584xi32, #tpu.memory_space<vmem>> -> memref<96xi32, #tpu.memory_space<vmem>>
    %dma_wait3A_43 = arith.constant 0 : i32
    %dma_wait3A_44 = arith.constant 0 : i32
    %dma_wait3A_45 = tpu.memref_slice %arg2[%dma_wait3A_43, %dma_wait3A_44] : memref<100000x128xf32, #tpu.memory_space<hbm>> -> memref<100000x128xf32, #tpu.memory_space<hbm>>
    tpu.wait_indirect_dma semaphore(%arg10 : memref<!tpu.dma_semaphore, #tpu.memory_space<semaphore_mem>>) src(%dma_wait3A_45 : memref<100000x128xf32, #tpu.memory_space<hbm>>) dst(%dma_wait3A_40 : memref<96x128xf32, #tpu.memory_space<vmem>>)
    %dma_wait3A_46 = arith.constant 96 : i32
    %dma_wait3A_47 = arith.constant 0 : i32
    %dma_wait3A_48 = tpu.memref_slice %arg6[%dma_wait3A_46, %dma_wait3A_47] : memref<192x128xf32, #tpu.memory_space<vmem>> -> memref<96x128xf32, #tpu.memory_space<vmem>>
    %dma_wait3A_49 = arith.constant 96 : i32
    %dma_wait3A_50 = tpu.memref_slice %arg5[%dma_wait3A_49] : memref<19584xi32, #tpu.memory_space<vmem>> -> memref<96xi32, #tpu.memory_space<vmem>>
    %dma_wait3A_51 = arith.constant 0 : i32
    %dma_wait3A_52 = arith.constant 0 : i32
    %dma_wait3A_53 = tpu.memref_slice %arg2[%dma_wait3A_51, %dma_wait3A_52] : memref<100000x128xf32, #tpu.memory_space<hbm>> -> memref<100000x128xf32, #tpu.memory_space<hbm>>
    tpu.wait_indirect_dma semaphore(%arg10 : memref<!tpu.dma_semaphore, #tpu.memory_space<semaphore_mem>>) src(%dma_wait3A_53 : memref<100000x128xf32, #tpu.memory_space<hbm>>) dst(%dma_wait3A_48 : memref<96x128xf32, #tpu.memory_space<vmem>>)
    %dma_wait3A_54 = arith.constant 0 : i32
    %dma_wait3A_55 = arith.constant 0 : i32
    %dma_wait3A_56 = tpu.memref_slice %arg7[%dma_wait3A_54, %dma_wait3A_55] : memref<192x128xf32, #tpu.memory_space<vmem>> -> memref<96x128xf32, #tpu.memory_space<vmem>>
    %dma_wait3A_57 = arith.constant 0 : i32
    %dma_wait3A_58 = tpu.memref_slice %arg5[%dma_wait3A_57] : memref<19584xi32, #tpu.memory_space<vmem>> -> memref<96xi32, #tpu.memory_space<vmem>>
    %dma_wait3A_59 = arith.constant 0 : i32
    %dma_wait3A_60 = arith.constant 0 : i32
    %dma_wait3A_61 = tpu.memref_slice %arg2[%dma_wait3A_59, %dma_wait3A_60] : memref<100000x128xf32, #tpu.memory_space<hbm>> -> memref<100000x128xf32, #tpu.memory_space<hbm>>
    tpu.wait_indirect_dma semaphore(%arg11 : memref<!tpu.dma_semaphore, #tpu.memory_space<semaphore_mem>>) src(%dma_wait3A_61 : memref<100000x128xf32, #tpu.memory_space<hbm>>) dst(%dma_wait3A_56 : memref<96x128xf32, #tpu.memory_space<vmem>>)
    %dma_wait3A_62 = arith.constant 96 : i32
    %dma_wait3A_63 = arith.constant 0 : i32
    %dma_wait3A_64 = tpu.memref_slice %arg7[%dma_wait3A_62, %dma_wait3A_63] : memref<192x128xf32, #tpu.memory_space<vmem>> -> memref<96x128xf32, #tpu.memory_space<vmem>>
    %dma_wait3A_65 = arith.constant 96 : i32
    %dma_wait3A_66 = tpu.memref_slice %arg5[%dma_wait3A_65] : memref<19584xi32, #tpu.memory_space<vmem>> -> memref<96xi32, #tpu.memory_space<vmem>>
    %dma_wait3A_67 = arith.constant 0 : i32
    %dma_wait3A_68 = arith.constant 0 : i32
    %dma_wait3A_69 = tpu.memref_slice %arg2[%dma_wait3A_67, %dma_wait3A_68] : memref<100000x128xf32, #tpu.memory_space<hbm>> -> memref<100000x128xf32, #tpu.memory_space<hbm>>
    tpu.wait_indirect_dma semaphore(%arg11 : memref<!tpu.dma_semaphore, #tpu.memory_space<semaphore_mem>>) src(%dma_wait3A_69 : memref<100000x128xf32, #tpu.memory_space<hbm>>) dst(%dma_wait3A_64 : memref<96x128xf32, #tpu.memory_space<vmem>>)
    %dma_wait3A_70 = arith.constant 0 : i32
    %dma_wait3A_71 = arith.constant 0 : i32
    %dma_wait3A_72 = tpu.memref_slice %arg4[%dma_wait3A_70, %dma_wait3A_71] : memref<204800x48xf32, #tpu.memory_space<hbm>> -> memref<64x48xf32, #tpu.memory_space<hbm>>
    %dma_wait3A_73 = arith.constant 0 : i32
    %dma_wait3A_74 = arith.constant 0 : i32
    %dma_wait3A_75 = tpu.memref_slice %arg4[%dma_wait3A_73, %dma_wait3A_74] : memref<204800x48xf32, #tpu.memory_space<hbm>> -> memref<64x48xf32, #tpu.memory_space<hbm>>
    tpu.wait_dma2 semaphore(%arg12 : memref<!tpu.dma_semaphore, #tpu.memory_space<semaphore_mem>>) src(%arg8 : memref<64x48xf32, #tpu.memory_space<vmem>>) dst(%dma_wait3A_75 : memref<64x48xf32, #tpu.memory_space<hbm>>)
    %dma_wait3A_76 = arith.constant 0 : i32
    %dma_wait3A_77 = arith.constant 0 : i32
    %dma_wait3A_78 = tpu.memref_slice %arg4[%dma_wait3A_76, %dma_wait3A_77] : memref<204800x48xf32, #tpu.memory_space<hbm>> -> memref<64x48xf32, #tpu.memory_space<hbm>>
    %dma_wait3A_79 = arith.constant 0 : i32
    %dma_wait3A_80 = arith.constant 0 : i32
    %dma_wait3A_81 = tpu.memref_slice %arg4[%dma_wait3A_79, %dma_wait3A_80] : memref<204800x48xf32, #tpu.memory_space<hbm>> -> memref<64x48xf32, #tpu.memory_space<hbm>>
    tpu.wait_dma2 semaphore(%arg13 : memref<!tpu.dma_semaphore, #tpu.memory_space<semaphore_mem>>) src(%arg9 : memref<64x48xf32, #tpu.memory_space<vmem>>) dst(%dma_wait3A_81 : memref<64x48xf32, #tpu.memory_space<hbm>>)
    return
  }
}

module attributes {stable_mosaic.version = 14 : i64} {
  func.func @_tc_reduce_body(%arg0: i32, %arg1: memref<8192x48xf32, #tpu.memory_space<vmem>>, %arg2: memref<1x1xf32, #tpu.memory_space<smem>>) attributes {dimension_semantics = [#tpu.dimension_semantics<arbitrary>], iteration_bounds = array<i64: 25>, scalar_prefetch = 0 : i64, scratch_operands = 0 : i64, tpu.core_type = #tpu.core_type<tc>, window_params = [{transform_indices = @transform_0, window_bounds = array<i64: 8192, 48>}, {transform_indices = @transform_1, window_bounds = array<i64: 1, 1>}]} {
    %get3A = arith.constant 0 : index
    %get3A_0 = arith.constant 0 : index
    %get3A_1 = vector.load %arg1[%get3A, %get3A_0] : memref<8192x48xf32, #tpu.memory_space<vmem>>, vector<8192x48xf32>
    %slice3A = vector.extract_strided_slice %get3A_1 {offsets = [0, 0], sizes = [8192, 16], strides = [1, 1]} : vector<8192x48xf32> to vector<8192x16xf32>
    %reduce_sum3A = arith.constant dense<0.000000e+00> : vector<8192xf32>
    %reduce_sum3A_2 = vector.multi_reduction <add>, %slice3A, %reduce_sum3A [1] : vector<8192x16xf32> to vector<8192xf32>
    %slice3A_3 = vector.extract_strided_slice %get3A_1 {offsets = [0, 16], sizes = [8192, 16], strides = [1, 1]} : vector<8192x48xf32> to vector<8192x16xf32>
    %reduce_sum3A_4 = arith.constant dense<0.000000e+00> : vector<8192xf32>
    %reduce_sum3A_5 = vector.multi_reduction <add>, %slice3A_3, %reduce_sum3A_4 [1] : vector<8192x16xf32> to vector<8192xf32>
    %slice3A_6 = vector.extract_strided_slice %get3A_1 {offsets = [0, 32], sizes = [8192, 16], strides = [1, 1]} : vector<8192x48xf32> to vector<8192x16xf32>
    %reduce_sum3A_7 = arith.constant dense<0.000000e+00> : vector<8192xf32>
    %reduce_sum3A_8 = vector.multi_reduction <add>, %slice3A_6, %reduce_sum3A_7 [1] : vector<8192x16xf32> to vector<8192xf32>
    %sqrt3A = math.sqrt %reduce_sum3A_2 : vector<8192xf32>
    %reduce_sum3A_9 = vector.shape_cast %sqrt3A : vector<8192xf32> to vector<1x8192xf32>
    %reduce_sum3A_10 = arith.constant dense<0.000000e+00> : vector<1xf32>
    %reduce_sum3A_11 = vector.multi_reduction <add>, %reduce_sum3A_9, %reduce_sum3A_10 [1] : vector<1x8192xf32> to vector<1xf32>
    %reduce_sum3A_12 = vector.shape_cast %reduce_sum3A_11 : vector<1xf32> to vector<1x1xf32>
    %reduce_sum3A_13 = vector.extract %reduce_sum3A_12[0, 0] : f32 from vector<1x1xf32>
    %sqrt3A_14 = math.sqrt %reduce_sum3A_5 : vector<8192xf32>
    %reduce_sum3A_15 = vector.shape_cast %sqrt3A_14 : vector<8192xf32> to vector<1x8192xf32>
    %reduce_sum3A_16 = arith.constant dense<0.000000e+00> : vector<1xf32>
    %reduce_sum3A_17 = vector.multi_reduction <add>, %reduce_sum3A_15, %reduce_sum3A_16 [1] : vector<1x8192xf32> to vector<1xf32>
    %reduce_sum3A_18 = vector.shape_cast %reduce_sum3A_17 : vector<1xf32> to vector<1x1xf32>
    %reduce_sum3A_19 = vector.extract %reduce_sum3A_18[0, 0] : f32 from vector<1x1xf32>
    %add3A = arith.addf %reduce_sum3A_13, %reduce_sum3A_19 : f32
    %sqrt3A_20 = math.sqrt %reduce_sum3A_8 : vector<8192xf32>
    %reduce_sum3A_21 = vector.shape_cast %sqrt3A_20 : vector<8192xf32> to vector<1x8192xf32>
    %reduce_sum3A_22 = arith.constant dense<0.000000e+00> : vector<1xf32>
    %reduce_sum3A_23 = vector.multi_reduction <add>, %reduce_sum3A_21, %reduce_sum3A_22 [1] : vector<1x8192xf32> to vector<1xf32>
    %reduce_sum3A_24 = vector.shape_cast %reduce_sum3A_23 : vector<1xf32> to vector<1x1xf32>
    %reduce_sum3A_25 = vector.extract %reduce_sum3A_24[0, 0] : f32 from vector<1x1xf32>
    %add3A_26 = arith.addf %add3A, %reduce_sum3A_25 : f32
    %eq3A = arith.constant 0 : i32
    %eq3A_27 = arith.cmpi eq, %arg0, %eq3A : i32
    %convert_element_type3A = arith.extui %eq3A_27 : i1 to i32
    %cond3A = arith.constant 0 : i32
    %cond3A_28 = arith.cmpi ne, %convert_element_type3A, %cond3A : i32
    scf.if %cond3A_28 {
      %swap3A = arith.constant 0 : index
      %swap3A_33 = arith.constant 0 : index
      %swap3A_34 = memref.load %arg2[%swap3A, %swap3A_33] : memref<1x1xf32, #tpu.memory_space<smem>>
      memref.store %add3A_26, %arg2[%swap3A, %swap3A_33] : memref<1x1xf32, #tpu.memory_space<smem>>
    } else {
    }
    %ne3A = arith.constant 0 : i32
    %ne3A_29 = arith.cmpi ne, %arg0, %ne3A : i32
    %convert_element_type3A_30 = arith.extui %ne3A_29 : i1 to i32
    %cond3A_31 = arith.constant 0 : i32
    %cond3A_32 = arith.cmpi ne, %convert_element_type3A_30, %cond3A_31 : i32
    scf.if %cond3A_32 {
      %get3A_33 = arith.constant 0 : index
      %get3A_34 = arith.constant 0 : index
      %get3A_35 = memref.load %arg2[%get3A_33, %get3A_34] : memref<1x1xf32, #tpu.memory_space<smem>>
      %add3A_36 = arith.addf %get3A_35, %add3A_26 : f32
      %swap3A = arith.constant 0 : index
      %swap3A_37 = arith.constant 0 : index
      %swap3A_38 = memref.load %arg2[%swap3A, %swap3A_37] : memref<1x1xf32, #tpu.memory_space<smem>>
      memref.store %add3A_36, %arg2[%swap3A, %swap3A_37] : memref<1x1xf32, #tpu.memory_space<smem>>
    } else {
    }
    return
  }
  func.func @transform_0(%arg0: i32) -> (i32, i32) {
    %c0_i32 = arith.constant 0 : i32
    %c0_i32_0 = arith.constant 0 : i32
    return %arg0, %c0_i32 : i32, i32
  }
  func.func @transform_1(%arg0: i32) -> (i32, i32) {
    %c0_i32 = arith.constant 0 : i32
    %c0_i32_0 = arith.constant 0 : i32
    %c0_i32_1 = arith.constant 0 : i32
    return %c0_i32, %c0_i32_0 : i32, i32
  }
}

</mosaic_0001>

<sc_bundles>
// kernel: kernel.4.cloned.1.call-start
scs
__scs_entry_jumppad:
0x0: {  	(pc) =	sbr.rel $0x88, $3  }
0x1: {  	(tag) =	ssettag $0x0;
	lr =	simm.s32 $0x1  }
0x2: {  	[smem:$0x3F9F] =	sst lr;
	_ =	strace $0xD0000000  }
0x3: {  	_ = 	snop  }
0x4: {  	_ = 	snop  }
0x5: {  	_ = 	snop  }
0x6: {  	_ = 	snop  }
0x7: {  	_ = 	snop  }
__scs_overlays_trampoline_lowered:
0x8: {  	[smem:$0x3FAE] =	sst s0  }
0x9: {  	[smem:$0x3FAF] =	sst s1  }
0xa: {  	[smem:$0x3FB0] =	sst s2  }
0xb: {  	[smem:$0x3FB1] =	sst s3  }
0xc: {  	[smem:$0x3FB2] =	sst s4  }
0xd: {  	[smem:$0x3FB3] =	sst s5  }
0xe: {  	[smem:$0x3FB4] =	sst s6  }
0xf: {  	[smem:$0x3FB5] =	sst s7  }
0x10: {  	[smem:$0x3FB6] =	sst s8  }
0x11: {  	[smem:$0x3FB7] =	sst s9;
	s0 =	simm.s32 @!p0 $0x0  }
0x12: {  	s1 =	sld [smem:$0x3F9D];
	s0 =	simm.s32 @p0 $0x1  }
0x13: {  	[smem:$0x3FB8] =	sst s0;
	s0 =	simm.s32 @!p1 $0x0  }
0x14: {  	s2 =	sld [smem:$0x3F9C];
	s0 =	simm.s32 @p1 $0x1  }
0x15: {  	[smem:$0x3FB9] =	sst s0;
	s0 =	simm.s32 @!p2 $0x0  }
0x16: {  	s3 =	sld [smem:$0x3FDB];
	s0 =	simm.s32 @p2 $0x1  }
0x17: {  	s4 =	simm.s32 $0x1BF5;
	[smem:$0x3FBB] =	sst s0  }
0x18: {  	s0 =	sld [smem:$0x3F9E];
	_ =	swait.ge [sflag:s4], $0x0  }
0x19: {  	s7 =	sld [smem:$0x3F9F]  }
0x1a: {  	s8 =	sadd.s32 $0xFFFFE003, lr  }
0x1b: {  	s9 =	sadd.s32 $0xFFFFFEF7, lr;
	s5 =	simm.s32 $0xFFFFFFFF;
	p2 =	slt.u32 s8, $0xFFFFF086  }
0x1c: {  	p1 =	slt.u32 s9, $0xF7A;
	s5 =	simm.s32 @!p2 $0x0  }
0x1d: {  	s5 =	simm.s32 @p1 $0x1;
	p0 =	seq.s32 s7, s2  }
0x1e: {  	s7 =	smul.u32 @!p0 $0xF7A, s2;
	p2 =	seq.s32 @!p0 s5, $0x0  }
0x1f: {  	s9 =	smul.u32 $0xF7A, s1;
	s8 =	simm.s32 @!p0 $0x1BF5;
	p2 =	por !p2, p0  }
0x20: {  	[sflag:s8] =	ssyncset.s32 @!p0 $0xFFFFF086;
	s6 =	sadd.s32 @!p0 s3, s7;
	s7 =	simm.s32 @!p0 $0x108  }
0x21: {  	s3 =	sadd.s32 s3, s9;
	s6 =	sadd.s32 @!p0 $0x88, s6;
	s7 =	simm.s32 @p2 $0x1082  }
0x22: {  	[simem:s7], [sflag:s8] =	dma.local @!p0 [hbm:s6], $0xF7A  }
0x23: {  	s9 =	sor.u32 $0xD0000000, s2;
	s6 =	simm.s32 $0x108;
	_ =	swait.ge @!p0 [sflag:s8], $0x0  }
0x24: {  	s3 =	sadd.s32 $0x88, s3;
	s6 =	simm.s32 @!p1 $0x1082;
	[sflag:s4] =	ssyncset.s32 $0xFFFFF086  }
0x25: {  	[simem:s6], [sflag:s4] =	dma.local [hbm:s3], $0xF7A  }
0x26: {  	[smem:$0x3F9F] =	sst s1;
	(tag) =	ssettag s2;
	_ =	strace s9  }
0x27: {  	s1 =	sld [smem:$0x3FAF]  }
0x28: {  	s2 =	sld [smem:$0x3FB0]  }
0x29: {  	s4 =	sld [smem:$0x3FB2]  }
0x2a: {  	p0 =	seq.s32 s5, $0x0;
	s5 =	sld [smem:$0x3FB3]  }
0x2b: {  	s6 =	sld [smem:$0x3FB4]  }
0x2c: {  	s7 =	sld [smem:$0x3FB5]  }
0x2d: {  	s3 =	simm.s32 $0x108;
	s8 =	sld [smem:$0x3FB6]  }
0x2e: {  	s3 =	simm.s32 @!p0 $0x1082;
	s9 =	sld [smem:$0x3FB7]  }
0x2f: {  	lr =	sadd.s32 s0, s3;
	s0 =	sld [smem:$0x3FAE]  }
0x30: {  	s3 =	sld [smem:$0x3FB1]  }
0x31: {  	[smem:$0x3FBA] =	sst s10  }
0x32: {  	s10 =	sld [smem:$0x3FB8];
	_ =	sdelay $0x3  }
0x33: {  	p0 =	seq.s32 s10, $0x1;
	s10 =	sld [smem:$0x3FBA];
	_ =	sdelay $0x3  }
0x34: {  	[smem:$0x3FBA] =	sst s10  }
0x35: {  	s10 =	sld [smem:$0x3FB9];
	_ =	sdelay $0x3  }
0x36: {  	p1 =	seq.s32 s10, $0x1;
	s10 =	sld [smem:$0x3FBA];
	_ =	sdelay $0x3  }
0x37: {  	[smem:$0x3FBA] =	sst s10  }
0x38: {  	s10 =	sld [smem:$0x3FBB]  }
0x39: {  	_ = 	snop;
	(pc) =	sbr.ind lr, $3  }
0x3a: {  	_ = 	snop  }
0x3b: {  	_ = 	snop  }
0x3c: {  	p2 =	seq.s32 s10, $0x1;
	s10 =	sld [smem:$0x3FBA]  }
0x3d: {  	_ =	shalt  }
0x3e: {  	_ =	shalt  }
0x3f: {  	_ =	shalt  }
0x40: {  	_ =	shalt  }
0x41: {  	_ =	shalt  }
0x42: {  	_ =	shalt  }
0x43: {  	_ =	shalt  }
0x44: {  	_ =	shalt  }
0x45: {  	_ =	shalt  }
0x46: {  	_ =	shalt  }
0x47: {  	_ =	shalt  }
0x48: {  	_ =	shalt  }
0x49: {  	_ =	shalt  }
0x4a: {  	_ =	shalt  }
0x4b: {  	_ =	shalt  }
0x4c: {  	_ =	shalt  }
0x4d: {  	_ =	shalt  }
0x4e: {  	_ =	shalt  }
0x4f: {  	_ =	shalt  }
0x50: {  	_ =	shalt  }
0x51: {  	_ =	shalt  }
0x52: {  	_ =	shalt  }
0x53: {  	_ =	shalt  }
0x54: {  	_ =	shalt  }
0x55: {  	_ =	shalt  }
0x56: {  	_ =	shalt  }
0x57: {  	_ =	shalt  }
0x58: {  	_ =	shalt  }
0x59: {  	_ =	shalt  }
0x5a: {  	_ =	shalt  }
0x5b: {  	_ =	shalt  }
0x5c: {  	_ =	shalt  }
0x5d: {  	_ =	shalt  }
0x5e: {  	_ =	shalt  }
0x5f: {  	_ =	shalt  }
0x60: {  	_ =	shalt  }
0x61: {  	_ =	shalt  }
0x62: {  	_ =	shalt  }
0x63: {  	_ =	shalt  }
0x64: {  	_ =	shalt  }
0x65: {  	_ =	shalt  }
0x66: {  	_ =	shalt  }
0x67: {  	_ =	shalt  }
0x68: {  	_ =	shalt  }
0x69: {  	_ =	shalt  }
0x6a: {  	_ =	shalt  }
0x6b: {  	_ =	shalt  }
0x6c: {  	_ =	shalt  }
0x6d: {  	_ =	shalt  }
0x6e: {  	_ =	shalt  }
0x6f: {  	_ =	shalt  }
0x70: {  	_ =	shalt  }
0x71: {  	_ =	shalt  }
0x72: {  	_ =	shalt  }
0x73: {  	_ =	shalt  }
0x74: {  	_ =	shalt  }
0x75: {  	_ =	shalt  }
0x76: {  	_ =	shalt  }
0x77: {  	_ =	shalt  }
0x78: {  	_ =	shalt  }
0x79: {  	_ =	shalt  }
0x7a: {  	_ =	shalt  }
0x7b: {  	_ =	shalt  }
0x7c: {  	_ =	shalt  }
0x7d: {  	_ =	shalt  }
0x7e: {  	_ =	shalt  }
0x7f: {  	_ =	shalt  }
0x80: {  	_ =	shalt  }
0x81: {  	_ =	shalt  }
0x82: {  	_ =	shalt  }
0x83: {  	_ =	shalt  }
0x84: {  	_ =	shalt  }
0x85: {  	_ =	shalt  }
0x86: {  	_ =	shalt  }
0x87: {  	_ =	shalt  }
.Lfunc_end0:
.L_simem_size_0:
called_computation_lowered:
.L_overlay_start_0:
0x88: {  	s2 =	sld [smem:$0x3FD9]  }
0x89: {  	s3 =	sld [smem:$0x3FFE];
	_ =	sdelay $0x1  }
0x8a: {  	s1 =	srdreg.scid  }
0x8b: {  	s0 =	sand.u32 $0x1, s1  }
0x8c: {  	s17 =	sshll.u32 s0, $0xA;
	s2 =	sadd.s32 s3, s2  }
0x8d: {  	s2 =	sadd.s32 s2, s17  }
0x8e: {  	[smem:$0x3FC6] =	sst s2  }
0x8f: {  	_ = 	snop  }
0x90: {  	s2 =	sld [smem:$0x3FC9];
	(tm) =	ssettm $0x1  }
0x91: {  	s18 =	sld [smem:$0x3FFB];
	_ =	sdelay $0x3  }
0x92: {  	_ =	strace s18  }
0x93: {  	s3 =	sld [smem:$0x3FFC];
	_ =	sdelay $0x3  }
0x94: {  	_ =	strace s3  }
0x95: {  	s3 =	sld [smem:$0x3FFD];
	_ =	sdelay $0x3  }
0x96: {  	_ =	strace s3  }
0x97: {  	_ =	strace $0x8FFFFFFF  }
0x98: {  	s19 =	sld [smem:$0x3FDB];
	_ =	sdelay $0x1  }
0x99: {  	s4 =	simm.s32 $_scs_section_size  }
0x9a: {  	s5 =	simm.s32 $_size__tile_overlayer_lowered;
	s6 =	simm.s32 $_tile_overlayer_lowered  }
0x9b: {  	s22 =	simm.s32 $0x1BFF;
	s21 =	sshll.u32 s6, $0x1;
	s3 =	sadd.s32 s4, s19  }
0x9c: {  	s7 =	simm.s32 $0x0;
	s20 =	sshll.u32 s5, $0x1;
	s5 =	sadd.s32 s21, s3  }
0x9d: {  	[timem:s7], [sflag:s22] =	dma.local [hbm:s5], s20  }
0x9e: {  	_ =	swait.ge [sflag:s22], s20  }
0x9f: {  	s4 =	ssub.s32 $0x0, s20;
	[sflag:s22] =	ssyncset.done $0x0  }
0xa0: {  	[sflag:s22] =	ssyncadd.s32 s4;
	_ =	sdelay $0x1  }
0xa1: {  	s23 =	simm.s32 $0x1B8B  }
0xa2: {  	_ =	swait.ge [sflag:s23], $0x1  }
0xa3: {  	[sflag:s23] =	ssyncset.done $0x0  }
0xa4: {  	s25 =	simm.s32 $0x1B8E;
	s24 =	sld [smem:$0x3FFE];
	[sflag:s23] =	ssyncadd.s32 $0xFFFFFFFF  }
0xa5: {  	s26 =	simm.s32 $execute0_lowered;
	[smem:$0x3FD2] =	sst s25  }
0xa6: {  	s5 =	sshll.u32 s26, $0x1;
	_ =	strace $0x80000046;
	[dreg:$0x1] =	wrdreg $0xFFFFFFFF  }
0xa7: {  	s28 =	simm.s32 $_size_execute0_lowered;
	s3 =	sadd.s32 s3, s5;
	[dreg:$0x0] =	wrdreg $0x0  }
0xa8: {  	s5 =	sshll.u32 s28, $0x1;
	[dreg:$0x2] =	wrdreg s3  }
0xa9: {  	[dreg:$0x3] =	wrdreg s5  }
0xaa: {  	[dreg:$0x4] =	wrdreg $0xC0  }
0xab: {  	_ =	task [dreg:s7], $0x5FFFF  }
0xac: {  	[dreg:$0x1] =	wrdreg $0xFFFFFFFF  }
0xad: {  	[dreg:$0x0] =	wrdreg $0x60  }
0xae: {  	[dreg:$0x2] =	wrdreg s2  }
0xaf: {  	[dreg:$0x3] =	wrdreg s24  }
0xb0: {  	[dreg:$0x4] =	wrdreg $0x9  }
0xb1: {  	_ =	task.clear_ibuf [dreg:s7], $0x5FFFF;
	_ =	strace $0x90000046  }
0xb2: {  	s29 =	simm.s32 $0x9;
	_ =	strace $0x80000048  }
0xb3: {  	_ =	swait.ge [sflag:s29], $0x1  }
0xb4: {  	[sflag:s29] =	ssyncadd.s32 $0xFFFFFFFF  }
0xb5: {  	_ =	strace $0x90000048  }
0xb6: {  	_ =	sfence  }
0xb7: {  	s30 =	sld [smem:$0x0];
	_ =	sdelay $0x2  }
0xb8: {  	s31 =	sshll.u32 s1, $0xD;
	s1 =	sshrl.u32 s1, $0x2  }
0xb9: {  	s3 =	sand.u32 $0x4000, s31;
	s1 =	sadd.s32 s1, s30  }
0xba: {  	s0 =	sor.u32 s3, s0;
	s1 =	sshll.u32 s1, $0x11  }
0xbb: {  	s0 =	sor.u32 s1, s0  }
0xbc: {  	s0 =	sadd.s32 $0x8F2B, s0  }
0xbd: {  	[sflag:s0] =	ssyncadd.remote.s32 $0x1  }
0xbe: {  	_ =	sfence.sel $0xFFFF  }
0xbf: {  	[dreg:$0x0] =	wrdreg $0xFFFFFFFF;
	(pc) =	sbr.abs _section_cstart, $3  }
0xc0: {  	[dreg:$0x1] =	wrdreg $0xFFFFFFFF  }
0xc1: {  	_ =	task.clear_ibuf [dreg:s7], $0x2FFFF;
	_ =	strace $0x9FFFFFFF  }
0xc2: {  	(tm) =	ssettm $0x7FFFFFFF  }
0xc3: {  	_ =	shalt  }
tec
execute0_lowered:
.L_overlay_start_1:
0x0: {  	(tag) =	ssettag $0x1  }
0x1: {  	s2 =	rddreg [dreg:$0x0];
	s1 =	srdreg.scid  }
0x2: {  	s0 =	stileid.u32;
	s4 =	rddreg [dreg:$0x1];
	s3 =	simm.s32 $0x0  }
0x3: {  	s10 =	simm.s32 $0x60;
	s11 =	simm.s32 $0x4C80;
	s12 =	simm.s32 $0x7C80  }
0x4: {  	s13 =	simm.s32 $0xC0;
	s14 =	simm.s32 $0xAC80;
	s15 =	simm.s32 $0x120  }
0x5: {  	s16 =	simm.s32 $0xDC80;
	s17 =	simm.s32 $0x1;
	s18 =	simm.s32 $0x10C80  }
0x6: {  	s19 =	simm.s32 $0x2;
	s20 =	simm.s32 $0x12C80;
	s21 =	simm.s32 $0x3  }
0x7: {  	s22 =	simm.s32 $0x4;
	s5 =	sand.u32 $0x1, s1;
	s6 =	sshll.u32 s0, $0x1  }
0x8: {  	s23 =	simm.s32 $0x0;
	s1 =	rddreg [dreg:$0x2];
	s6 =	sor.u32 s5, s6  }
0x9: {  	[smem:$0x7FF] =	sst s3;
	s5 =	ssub.s32 $0x2, s5;
	s7 =	smul.u32 $0x960, s6  }
0xa: {  	_ =	strace $0x80000047;
	s8 =	smul.u32 $0x19000, s6;
	s9 =	sshrl.u32 s5, $0x1  }
0xb: {  	s6 =	smul.u32 $0xC8000, s6;
	s7 =	sadd.s32 s7, s4;
	s4 =	sadd.s32 $0x13200, s4  }
0xc: {  	s9 =	ssub.s32 s5, s9;
	s5 =	sadd.s32 $0x400, s7;
	s8 =	sadd.s32 s8, s4  }
0xd: {  	s7 =	smax.u32 s9, $0x1;
	s9 =	simm.s32 $0x5;
	s8 =	sadd.s32 $0x400, s8  }
.LBB2_1:
0xe: {  	[tilespmem:s3], [sflag:$0x5] =	stream.linear.gather [hbm4b:s5+s3], $0x4C80, $0x38;
	[tilespmem:$0x14C80] =	vst v63  }
0xf: {  	_ =	swait.ge [sflag:s9], $0x4C80  }
0x10: {  	[sflag:s9] =	ssyncset.done $0x0  }
0x11: {  	[sflag:s9] =	ssyncadd.s32 $0xFFFFB380  }
0x12: {  	[tilespmem:s11], [sflag:$0x1] =	stream.indirect.gather [hbm4b:s2+s10], $0x80, s3, s10, $0xb8;
	[tilespmem:$0x14C80] =	vst v63  }
0x13: {  	_ = 	snop  }
0x14: {  	[tilespmem:s12], [sflag:$0x1] =	stream.indirect.gather [hbm4b:s2+s10], $0x80, s10, s10, $0xb8;
	[tilespmem:$0x14C80] =	vst v63  }
0x15: {  	_ = 	snop  }
0x16: {  	[tilespmem:s14], [sflag:$0x2] =	stream.indirect.gather [hbm4b:s2+s10], $0x80, s13, s10, $0xb8;
	[tilespmem:$0x14C80] =	vst v63  }
0x17: {  	s24 =	simm.s32 $0x0  }
0x18: {  	[tilespmem:s16], [sflag:$0x2] =	stream.indirect.gather [hbm4b:s2+s10], $0x80, s15, s10, $0xb8;
	[tilespmem:$0x14C80] =	vst v63  }
.LBB2_2:
0x19: {  	_ =	swait.ge [sflag:s17], $0x3000  }
0x1a: {  	[sflag:s17] =	ssyncset.done $0x0  }
0x1b: {  	[sflag:s17] =	ssyncadd.s32 $0xFFFFD000  }
0x1c: {  	_ =	swait.ge [sflag:s17], $0x3000  }
0x1d: {  	p0 =	seq.s32 s24, $0x0;
	[sflag:s17] =	ssyncset.done $0x0  }
0x1e: {  	s25 =	simm.s32 @!p0 $0x3;
	[sflag:s17] =	ssyncadd.s32 $0xFFFFD000  }
0x1f: {  	_ =	swait.ge @!p0 [sflag:s25], $0x2000  }
0x20: {  	[sflag:s25] =	ssyncset.done @!p0 $0x0  }
0x21: {  	s28 =	simm.s32 $0x4E00;
	[sflag:s25] =	ssyncadd.s32 @!p0 $0xFFFFE000  }
0x22: {  	v7 =	vld [tilespmem:s28+$0x80]  }
0x23: {  	v8 =	vld [tilespmem:s28+$0x100]  }
0x24: {  	v9 =	vld [tilespmem:s28+$0x90]  }
0x25: {  	v10 =	vld [tilespmem:s28+$0x110]  }
0x26: {  	v5 =	vld [tilespmem:s28+$0xA0]  }
0x27: {  	v11 =	vld [tilespmem:s28+$0x120]  }
0x28: {  	v3 =	vld [tilespmem:s28+$0xB0]  }
0x29: {  	v12 =	vld [tilespmem:s28+$0x130]  }
0x2a: {  	v2 =	vld [tilespmem:s28+$0xC0]  }
0x2b: {  	v13 =	vld [tilespmem:s28+$0x140];
	v0 =	vsub.f32 v8, v7;
	v1 =	vsub.f32 v10, v9  }
0x2c: {  	v6 =	vld [tilespmem:s28+$0xD0]  }
0x2d: {  	v14 =	vld [tilespmem:s28+$0x150];
	v4 =	vsub.f32 v11, v5;
	v0 =	vmul.f32 v0, v0;
	v1 =	vmul.f32 v1, v1  }
0x2e: {  	v15 =	vld [tilespmem:s28+$0xE0]  }
0x2f: {  	v16 =	vld [tilespmem:s28+$0x160];
	v0 =	vadd.f32 v1, v0;
	v1 =	vmul.f32 v4, v4;
	v4 =	vsub.f32 v12, v3  }
0x30: {  	v17 =	vld [tilespmem:s28+$0xF0]  }
0x31: {  	v19 =	vld [tilespmem:s28+$0xFFFFFF00];
	v18 =	vsub.f32 v13, v2;
	v1 =	vadd.f32 v1, v0;
	v4 =	vmul.f32 v4, v4  }
0x32: {  	v0 =	vld [tilespmem:s28+$0x170]  }
0x33: {  	v20 =	vld [tilespmem:s28+$0xFFFFFF80];
	v1 =	vadd.f32 v4, v1;
	v4 =	vmul.f32 v18, v18;
	v18 =	vsub.f32 v14, v6  }
0x34: {  	v21 =	vld [tilespmem:s28+$0xFFFFFE90]  }
0x35: {  	v23 =	vld [tilespmem:s28+$0x60];
	v22 =	vsub.f32 v16, v15;
	v4 =	vadd.f32 v4, v1;
	v18 =	vmul.f32 v18, v18  }
0x36: {  	v25 =	vld [tilespmem:s28+$0x40]  }
0x37: {  	v1 =	vld [tilespmem:s28+$0x70];
	v4 =	vadd.f32 v18, v4;
	v18 =	vmul.f32 v22, v22;
	v22 =	vsub.f32 v0, v17  }
0x38: {  	v24 =	vld [tilespmem:s28+$0x50]  }
0x39: {  	v4 =	vadd.f32 v18, v4;
	v18 =	vmul.f32 v22, v22;
	v22 =	vld [tilespmem:s28+$0x30]  }
0x3a: {  	v27 =	vld [tilespmem:s28+$0x20];
	v26 =	vsub.f32 v20, v19;
	v15 =	vsub.f32 v23, v15  }
0x3b: {  	v13 =	vsub.f32 v25, v13;
	v28 =	vadd.f32 v18, v4;
	v18 =	vld [tilespmem:s28+$0x0]  }
0x3c: {  	v17 =	vsub.f32 v1, v17;
	v4 =	vsub.f32 v23, v16;
	v16 =	vld [tilespmem:s28+$0x10]  }
0x3d: {  	v26 =	vmul.f32 v26, v26;
	v23 =	vsub.f32 v24, v6;
	v6 =	vsub.f32 v24, v14;
	v14 =	vld [tilespmem:s28+$0xFFFFFF10]  }
0x3e: {  	v24 =	vsub.f32 v25, v2;
	v2 =	vmul.f32 v17, v17;
	v17 =	vld [tilespmem:s28+$0xFFFFFF90];
	v25 =	vsub.f32 v22, v3  }
0x3f: {  	v3 =	vmul.f32 v15, v15;
	v12 =	vsub.f32 v22, v12;
	v22 =	vsub.f32 v27, v5  }
0x40: {  	v15 =	vld [tilespmem:s28+$0xFFFFFE80];
	v5 =	vmul.f32 v23, v23;
	v23 =	vsub.f32 v27, v11;
	v27 =	vsub.f32 v18, v7  }
0x41: {  	v11 =	vld [tilespmem:s28+$0xFFFFFEA0];
	v7 =	vmul.f32 v24, v24;
	v8 =	vsub.f32 v18, v8;
	v9 =	vsub.f32 v16, v9  }
0x42: {  	v18 =	vld [tilespmem:s28+$0xFFFFFF20];
	v25 =	vmul.f32 v25, v25;
	v10 =	vsub.f32 v16, v10;
	v16 =	vsub.f32 v21, v14  }
0x43: {  	v24 =	vld [tilespmem:s28+$0xFFFFFFA0];
	v22 =	vmul.f32 v22, v22;
	v23 =	vmul.f32 v23, v23;
	v21 =	vsub.f32 v21, v17  }
0x44: {  	v29 =	vld [tilespmem:s28+$0xFFFFFFB0];
	v14 =	vsub.f32 v17, v14;
	v27 =	vmul.f32 v27, v27;
	v9 =	vmul.f32 v9, v9  }
0x45: {  	v17 =	vld [tilespmem:s28+$0xFFFFFEB0];
	v16 =	vmul.f32 v16, v16;
	v19 =	vsub.f32 v15, v19;
	v15 =	vsub.f32 v15, v20  }
0x46: {  	v8 =	vmul.f32 v8, v8;
	v20 =	vld [tilespmem:s28+$0xFFFFFF30];
	v21 =	vmul.f32 v21, v21;
	v27 =	vadd.f32 v9, v27  }
0x47: {  	v30 =	vld [tilespmem:s28+$0xFFFFFF40];
	v9 =	vmul.f32 v19, v19;
	v19 =	vsub.f32 v11, v18;
	v15 =	vmul.f32 v15, v15  }
0x48: {  	v14 =	vmul.f32 v14, v14;
	v11 =	vsub.f32 v11, v24;
	v18 =	vsub.f32 v24, v18;
	v24 =	vld [tilespmem:s28+$0xFFFFFEC0]  }
0x49: {  	v9 =	vadd.f32 v16, v9;
	v16 =	vmul.f32 v10, v10;
	v15 =	vadd.f32 v21, v15;
	v21 =	vld [tilespmem:s28+$0xFFFFFFC0]  }
0x4a: {  	v26 =	vadd.f32 v14, v26;
	v34 =	vadd.f32 v22, v27;
	v14 =	vmul.f32 v19, v19;
	v10 =	vld [tilespmem:s28+$0xFFFFFED0]  }
0x4b: {  	v19 =	vmul.f32 v11, v11;
	v11 =	vld [tilespmem:s28+$0xFFFFFF50];
	v8 =	vadd.f32 v16, v8;
	v16 =	vsub.f32 v17, v20  }
0x4c: {  	v17 =	vsub.f32 v17, v29;
	v20 =	vsub.f32 v29, v20;
	v29 =	vmul.f32 v18, v18;
	v18 =	vld [tilespmem:s28+$0xFFFFFFD0]  }
0x4d: {  	v25 =	vadd.f32 v25, v34;
	v31 =	vadd.f32 v14, v9;
	v9 =	vmul.f32 v12, v12;
	v14 =	vld [tilespmem:s28+$0xFFFFFEE0]  }
0x4e: {  	v15 =	vadd.f32 v19, v15;
	v12 =	vld [tilespmem:s28+$0xFFFFFEF0];
	v19 =	vmul.f32 v13, v13;
	v35 =	vsub.f32 v24, v30  }
0x4f: {  	v13 =	vld [tilespmem:s28+$0xFFFFFF70];
	v32 =	vmul.f32 v16, v16;
	v29 =	vadd.f32 v29, v26;
	v33 =	vmul.f32 v17, v17  }
0x50: {  	v16 =	vld [tilespmem:s28+$0xFFFFFF60];
	v27 =	vmul.f32 v20, v20;
	v20 =	vadd.f32 v23, v8;
	v8 =	vsub.f32 v24, v21  }
0x51: {  	s25 =	simm.s32 $0x10D20;
	v17 =	vld [tilespmem:s28+$0xFFFFFFE0];
	v26 =	vsub.f32 v21, v30;
	v24 =	vmul.f32 v35, v35;
	v21 =	vadd.f32 v32, v31  }
0x52: {  	s26 =	simm.s32 $0x0;
	[tilespmem:s25+$0x0] =	vst v28;
	v22 =	vadd.f32 v33, v15;
	v23 =	vadd.f32 v27, v29;
	v15 =	vld [tilespmem:s28+$0xFFFFFFF0];
	s28 =	simm.s32 $0x5100;
	v27 =	vmul.f32 v8, v8  }
.LBB2_3:
0x53: {  	v8 =	vld [tilespmem:s28+$0x80];
	v26 =	vmul.f32 v26, v26;
	v28 =	vsub.f32 v10, v11;
	v20 =	vadd.f32 v9, v20  }
0x54: {  	v29 =	vsub.f32 v10, v18;
	v18 =	vsub.f32 v18, v11;
	v6 =	vmul.f32 v6, v6;
	v9 =	vld [tilespmem:s28+$0x100]  }
0x55: {  	v21 =	vadd.f32 v24, v21;
	v22 =	vadd.f32 v27, v22;
	v10 =	vld [tilespmem:s28+$0x90];
	v24 =	vmul.f32 v28, v28  }
0x56: {  	s26 =	sadd.s32 $0x2, s26;
	v7 =	vadd.f32 v7, v25;
	v23 =	vadd.f32 v26, v23;
	v26 =	vmul.f32 v29, v29;
	v11 =	vld [tilespmem:s28+$0x110]  }
0x57: {  	p1 =	slt.u32 s26, $0x3E;
	v27 =	vsub.f32 v14, v16;
	v18 =	vmul.f32 v18, v18;
	v19 =	vadd.f32 v19, v20;
	v25 =	vld [tilespmem:s28+$0xA0]  }
0x58: {  	v4 =	vmul.f32 v4, v4;
	v14 =	vsub.f32 v14, v17;
	v16 =	vsub.f32 v17, v16;
	v20 =	vld [tilespmem:s28+$0x120]  }
0x59: {  	v21 =	vadd.f32 v24, v21;
	v22 =	vadd.f32 v26, v22;
	v24 =	vmul.f32 v27, v27;
	v17 =	vld [tilespmem:s28+$0xB0]  }
0x5a: {  	v14 =	vmul.f32 v14, v14;
	v5 =	vadd.f32 v5, v7;
	v18 =	vadd.f32 v18, v23;
	v26 =	vld [tilespmem:s28+$0x130]  }
0x5b: {  	v16 =	vmul.f32 v16, v16;
	v7 =	vsub.f32 v9, v8;
	v23 =	vsub.f32 v11, v10;
	v27 =	vld [tilespmem:s28+$0xC0]  }
0x5c: {  	v29 =	vsub.f32 v12, v13;
	v6 =	vadd.f32 v6, v19;
	v28 =	vld [tilespmem:s28+$0x140]  }
0x5d: {  	v7 =	vmul.f32 v7, v7;
	v19 =	vmul.f32 v23, v23;
	v23 =	vsub.f32 v20, v25;
	v30 =	vld [tilespmem:s28+$0xD0]  }
0x5e: {  	v12 =	vsub.f32 v12, v15;
	v13 =	vsub.f32 v15, v13;
	v15 =	vmul.f32 v29, v29;
	v31 =	vld [tilespmem:s28+$0x150]  }
0x5f: {  	v7 =	vadd.f32 v19, v7;
	v19 =	vmul.f32 v23, v23;
	v23 =	vsub.f32 v26, v17;
	v29 =	vld [tilespmem:s28+$0xE0]  }
0x60: {  	v1 =	vsub.f32 v1, v0;
	v21 =	vadd.f32 v24, v21;
	v12 =	vmul.f32 v12, v12;
	v32 =	vld [tilespmem:s28+$0x160]  }
0x61: {  	v7 =	vadd.f32 v19, v7;
	v19 =	vmul.f32 v23, v23;
	v23 =	vsub.f32 v28, v27;
	v24 =	vld [tilespmem:s28+$0xF0]  }
0x62: {  	v14 =	vadd.f32 v14, v22;
	v16 =	vadd.f32 v16, v18;
	v13 =	vmul.f32 v13, v13;
	v0 =	vld [tilespmem:s28+$0x170]  }
0x63: {  	v18 =	vld [tilespmem:s28+$0xFFFFFF00];
	v7 =	vadd.f32 v19, v7;
	v19 =	vmul.f32 v23, v23;
	v22 =	vsub.f32 v31, v30  }
0x64: {  	v3 =	vadd.f32 v3, v5;
	v5 =	vmul.f32 v1, v1;
	v4 =	vadd.f32 v4, v6;
	v23 =	vld [tilespmem:s28+$0xFFFFFF80]  }
0x65: {  	v33 =	vld [tilespmem:s28+$0xFFFFFE90];
	v6 =	vadd.f32 v19, v7;
	v7 =	vmul.f32 v22, v22;
	v19 =	vsub.f32 v32, v29  }
0x66: {  	v15 =	vadd.f32 v15, v21;
	v12 =	vadd.f32 v12, v14;
	v1 =	vld [tilespmem:s28+$0x70]  }
0x67: {  	v6 =	vadd.f32 v7, v6;
	v7 =	vld [tilespmem:s28+$0x60];
	v14 =	vmul.f32 v19, v19;
	v19 =	vsub.f32 v0, v24  }
0x68: {  	v2 =	vadd.f32 v2, v3;
	v13 =	vadd.f32 v13, v16;
	v21 =	vld [tilespmem:s28+$0x50];
	[tilespmem:s25+$0xFFFFFF60] =	vst v15  }
0x69: {  	v3 =	vsub.f32 v23, v18;
	v15 =	vld [tilespmem:s28+$0x40];
	v6 =	vadd.f32 v14, v6;
	v14 =	vmul.f32 v19, v19;
	[tilespmem:s25+$0xFFFFFF70] =	vst v12  }
0x6a: {  	v5 =	vadd.f32 v5, v4;
	v12 =	vld [tilespmem:s28+$0x30];
	[tilespmem:s25+$0xFFFFFF80] =	vst v13  }
0x6b: {  	v13 =	vmul.f32 v3, v3;
	v16 =	vld [tilespmem:s28+$0x20];
	v3 =	vsub.f32 v1, v24;
	v14 =	vadd.f32 v14, v6;
	[tilespmem:s25+$0xFFFFFFE0] =	vst v2  }
0x6c: {  	v19 =	vld [tilespmem:s28+$0x0];
	v22 =	vsub.f32 v7, v29;
	v4 =	vsub.f32 v7, v32;
	[tilespmem:s25+$0xFFFFFFF0] =	vst v5;
	s25 =	sadd.s32 $0x100, s25  }
0x6d: {  	v24 =	vld [tilespmem:s28+$0x10];
	v5 =	vsub.f32 v21, v30;
	v6 =	vsub.f32 v21, v31;
	v2 =	vmul.f32 v3, v3;
	[tilespmem:s25+$0x0] =	vst v14  }
0x6e: {  	v14 =	vld [tilespmem:s28+$0xFFFFFF10];
	v7 =	vsub.f32 v15, v27;
	v15 =	vsub.f32 v15, v28;
	v3 =	vmul.f32 v22, v22  }
0x6f: {  	v21 =	vld [tilespmem:s28+$0xFFFFFF90];
	v17 =	vsub.f32 v12, v17;
	v12 =	vsub.f32 v12, v26;
	v5 =	vmul.f32 v5, v5  }
0x70: {  	v22 =	vld [tilespmem:s28+$0xFFFFFE80];
	v25 =	vsub.f32 v16, v25;
	v16 =	vsub.f32 v16, v20;
	v7 =	vmul.f32 v7, v7  }
0x71: {  	v20 =	vld [tilespmem:s28+$0xFFFFFEA0];
	v8 =	vsub.f32 v19, v8;
	v9 =	vsub.f32 v19, v9;
	v28 =	vmul.f32 v17, v17  }
0x72: {  	v17 =	vld [tilespmem:s28+$0xFFFFFF20];
	v10 =	vsub.f32 v24, v10;
	v11 =	vsub.f32 v24, v11;
	v19 =	vmul.f32 v25, v25  }
0x73: {  	v24 =	vsub.f32 v33, v14;
	v25 =	vld [tilespmem:s28+$0xFFFFFFA0];
	v8 =	vmul.f32 v8, v8;
	v9 =	vmul.f32 v9, v9  }
0x74: {  	v26 =	vsub.f32 v33, v21;
	v14 =	vsub.f32 v21, v14;
	v21 =	vld [tilespmem:s28+$0xFFFFFEB0];
	v10 =	vmul.f32 v10, v10  }
0x75: {  	v18 =	vsub.f32 v22, v18;
	v22 =	vsub.f32 v22, v23;
	v23 =	vmul.f32 v24, v24;
	v24 =	vld [tilespmem:s28+$0xFFFFFF30]  }
0x76: {  	v26 =	vmul.f32 v26, v26;
	v14 =	vmul.f32 v14, v14;
	v27 =	vld [tilespmem:s28+$0xFFFFFFB0];
	v8 =	vadd.f32 v10, v8  }
0x77: {  	v10 =	vmul.f32 v18, v18;
	v18 =	vmul.f32 v22, v22;
	v22 =	vsub.f32 v20, v17;
	v29 =	vld [tilespmem:s28+$0xFFFFFEC0]  }
0x78: {  	v11 =	vmul.f32 v11, v11;
	v20 =	vsub.f32 v20, v25;
	v17 =	vsub.f32 v25, v17;
	v25 =	vld [tilespmem:s28+$0xFFFFFF40]  }
0x79: {  	v23 =	vadd.f32 v23, v10;
	v26 =	vadd.f32 v26, v18;
	v22 =	vmul.f32 v22, v22;
	v30 =	vld [tilespmem:s28+$0xFFFFFFC0]  }
0x7a: {  	v13 =	vadd.f32 v14, v13;
	v14 =	vmul.f32 v20, v20;
	v10 =	vld [tilespmem:s28+$0xFFFFFED0];
	v20 =	vadd.f32 v11, v9  }
0x7b: {  	v32 =	vmul.f32 v16, v16;
	v17 =	vmul.f32 v17, v17;
	v31 =	vsub.f32 v21, v24;
	v11 =	vld [tilespmem:s28+$0xFFFFFF50]  }
0x7c: {  	v9 =	vmul.f32 v12, v12;
	v16 =	vsub.f32 v21, v27;
	v21 =	vsub.f32 v27, v24;
	v18 =	vld [tilespmem:s28+$0xFFFFFFD0]  }
0x7d: {  	v22 =	vadd.f32 v22, v23;
	v23 =	vadd.f32 v14, v26;
	v24 =	vmul.f32 v31, v31;
	v14 =	vld [tilespmem:s28+$0xFFFFFEE0]  }
.Ltmp0:
0x7e: {  	v8 =	vadd.f32 v19, v8;
	v27 =	vadd.f32 v17, v13;
	v13 =	vmul.f32 v16, v16;
	v16 =	vld [tilespmem:s28+$0xFFFFFF60];
	(pc) =	sbr.rel @p1 .LBB2_3-.Ltmp0, $4  }
0x7f: {  	v20 =	vadd.f32 v32, v20;
	v31 =	vmul.f32 v21, v21;
	v33 =	vsub.f32 v29, v25;
	v17 =	vld [tilespmem:s28+$0xFFFFFFE0]  }
0x80: {  	v19 =	vmul.f32 v15, v15;
	v29 =	vsub.f32 v29, v30;
	v26 =	vsub.f32 v30, v25;
	v12 =	vld [tilespmem:s28+$0xFFFFFEF0]  }
0x81: {  	v21 =	vadd.f32 v24, v22;
	v22 =	vadd.f32 v13, v23;
	v24 =	vmul.f32 v33, v33;
	v13 =	vld [tilespmem:s28+$0xFFFFFF70]  }
0x82: {  	v25 =	vadd.f32 v28, v8;
	v23 =	vadd.f32 v31, v27;
	v27 =	vmul.f32 v29, v29;
	v15 =	vld [tilespmem:s28+$0xFFFFFFF0];
	s28 =	sadd.s32 $0x300, s28  }
0x83: {  	v8 =	vsub.f32 v10, v11  }
0x84: {  	v9 =	vadd.f32 v9, v20;
	v10 =	vsub.f32 v10, v18  }
0x85: {  	v26 =	vmul.f32 v26, v26;
	v11 =	vsub.f32 v18, v11;
	v18 =	vadd.f32 v24, v21  }
0x86: {  	v6 =	vmul.f32 v6, v6;
	v0 =	vsub.f32 v1, v0;
	v20 =	vadd.f32 v27, v22  }
0x87: {  	v4 =	vmul.f32 v4, v4;
	v7 =	vadd.f32 v7, v25;
	v22 =	vsub.f32 v14, v16  }
0x88: {  	v14 =	vsub.f32 v14, v17;
	v16 =	vsub.f32 v17, v16;
	v8 =	vmul.f32 v8, v8  }
0x89: {  	v21 =	vadd.f32 v26, v23;
	v10 =	vmul.f32 v10, v10;
	v9 =	vadd.f32 v19, v9  }
0x8a: {  	v11 =	vmul.f32 v11, v11;
	v5 =	vadd.f32 v5, v7;
	v7 =	vsub.f32 v12, v13  }
0x8b: {  	v17 =	vmul.f32 v22, v22;
	v8 =	vadd.f32 v8, v18;
	v10 =	vadd.f32 v10, v20  }
0x8c: {  	v14 =	vmul.f32 v14, v14;
	v11 =	vadd.f32 v11, v21;
	v6 =	vadd.f32 v6, v9  }
0x8d: {  	v16 =	vmul.f32 v16, v16;
	v9 =	vsub.f32 v12, v15;
	v3 =	vadd.f32 v3, v5  }
0x8e: {  	v12 =	vsub.f32 v15, v13;
	v7 =	vmul.f32 v7, v7;
	v8 =	vadd.f32 v17, v8  }
0x8f: {  	v9 =	vmul.f32 v9, v9;
	v1 =	vadd.f32 v14, v10;
	v2 =	vadd.f32 v2, v3  }
0x90: {  	v10 =	vadd.f32 v16, v11;
	v11 =	vmul.f32 v12, v12;
	v7 =	vadd.f32 v7, v8  }
0x91: {  	v0 =	vmul.f32 v0, v0;
	v4 =	vadd.f32 v4, v6;
	v1 =	vadd.f32 v9, v1;
	[tilespmem:s25+$0xFFFFFFE0] =	vst v2  }
0x92: {  	s26 =	sshll.u32 s24, $0xE;
	v5 =	vadd.f32 v11, v10;
	[tilespmem:s25+$0xFFFFFF60] =	vst v7  }
0x93: {  	s30 =	smul.u32 $0x600, s24;
	s26 =	sadd.s32 s6, s26;
	v0 =	vadd.f32 v0, v4;
	[tilespmem:s25+$0xFFFFFF70] =	vst v1  }
0x94: {  	s26 =	sshrl.u32 s26, $0x3;
	[tilespmem:s25+$0xFFFFFF80] =	vst v5  }
0x95: {  	s26 =	sadd.s32 s4, s26;
	[tilespmem:s25+$0xFFFFFFF0] =	vst v0;
	s25 =	sshra.s32 s30, $0x2  }
0x96: {  	[hbm4b:s26+s3] =	stream.linear.scatter [tilespmem:s18], [sflag:$0x3], $0x2000, $0x38;
	[tilespmem:$0x14C80] =	vst v63  }
0x97: {  	s26 =	sadd.s32 $0x180, s25  }
0x98: {  	[tilespmem:s11], [sflag:$0x1] =	stream.indirect.gather [hbm4b:s2+s10], $0x80, s26, s10, $0xb8;
	[tilespmem:$0x14C80] =	vst v63  }
0x99: {  	s31 =	sadd.s32 $0x1E0, s25  }
0x9a: {  	[tilespmem:s12], [sflag:$0x1] =	stream.indirect.gather [hbm4b:s2+s10], $0x80, s31, s10, $0xb8;
	[tilespmem:$0x14C80] =	vst v63  }
0x9b: {  	_ =	swait.ge [sflag:s19], $0x3000  }
0x9c: {  	[sflag:s19] =	ssyncset.done $0x0  }
0x9d: {  	[sflag:s19] =	ssyncadd.s32 $0xFFFFD000  }
0x9e: {  	_ =	swait.ge [sflag:s19], $0x3000  }
0x9f: {  	[sflag:s19] =	ssyncset.done $0x0  }
0xa0: {  	s26 =	simm.s32 @!p0 $0x4;
	[sflag:s19] =	ssyncadd.s32 $0xFFFFD000  }
0xa1: {  	_ =	swait.ge @!p0 [sflag:s26], $0x2000  }
0xa2: {  	[sflag:s26] =	ssyncset.done @!p0 $0x0  }
0xa3: {  	s29 =	simm.s32 $0xAE00;
	[sflag:s26] =	ssyncadd.s32 @!p0 $0xFFFFE000  }
0xa4: {  	v7 =	vld [tilespmem:s29+$0x80]  }
0xa5: {  	v8 =	vld [tilespmem:s29+$0x100]  }
0xa6: {  	v9 =	vld [tilespmem:s29+$0x90]  }
0xa7: {  	v10 =	vld [tilespmem:s29+$0x110]  }
0xa8: {  	v5 =	vld [tilespmem:s29+$0xA0]  }
0xa9: {  	v11 =	vld [tilespmem:s29+$0x120]  }
0xaa: {  	v3 =	vld [tilespmem:s29+$0xB0]  }
0xab: {  	v12 =	vld [tilespmem:s29+$0x130]  }
0xac: {  	v2 =	vld [tilespmem:s29+$0xC0]  }
0xad: {  	v13 =	vld [tilespmem:s29+$0x140];
	v0 =	vsub.f32 v8, v7;
	v1 =	vsub.f32 v10, v9  }
0xae: {  	v6 =	vld [tilespmem:s29+$0xD0]  }
0xaf: {  	v14 =	vld [tilespmem:s29+$0x150];
	v4 =	vsub.f32 v11, v5;
	v0 =	vmul.f32 v0, v0;
	v1 =	vmul.f32 v1, v1  }
0xb0: {  	v15 =	vld [tilespmem:s29+$0xE0]  }
0xb1: {  	v16 =	vld [tilespmem:s29+$0x160];
	v0 =	vadd.f32 v1, v0;
	v1 =	vmul.f32 v4, v4;
	v4 =	vsub.f32 v12, v3  }
0xb2: {  	v17 =	vld [tilespmem:s29+$0xF0]  }
0xb3: {  	v19 =	vld [tilespmem:s29+$0xFFFFFF00];
	v18 =	vsub.f32 v13, v2;
	v1 =	vadd.f32 v1, v0;
	v4 =	vmul.f32 v4, v4  }
0xb4: {  	v0 =	vld [tilespmem:s29+$0x170]  }
0xb5: {  	v20 =	vld [tilespmem:s29+$0xFFFFFF80];
	v1 =	vadd.f32 v4, v1;
	v4 =	vmul.f32 v18, v18;
	v18 =	vsub.f32 v14, v6  }
0xb6: {  	v21 =	vld [tilespmem:s29+$0xFFFFFE90]  }
0xb7: {  	v23 =	vld [tilespmem:s29+$0x60];
	v22 =	vsub.f32 v16, v15;
	v4 =	vadd.f32 v4, v1;
	v18 =	vmul.f32 v18, v18  }
0xb8: {  	v25 =	vld [tilespmem:s29+$0x40]  }
0xb9: {  	v1 =	vld [tilespmem:s29+$0x70];
	v4 =	vadd.f32 v18, v4;
	v18 =	vmul.f32 v22, v22;
	v22 =	vsub.f32 v0, v17  }
0xba: {  	v24 =	vld [tilespmem:s29+$0x50]  }
0xbb: {  	v4 =	vadd.f32 v18, v4;
	v18 =	vmul.f32 v22, v22;
	v22 =	vld [tilespmem:s29+$0x30]  }
0xbc: {  	v27 =	vld [tilespmem:s29+$0x20];
	v26 =	vsub.f32 v20, v19;
	v15 =	vsub.f32 v23, v15  }
0xbd: {  	v13 =	vsub.f32 v25, v13;
	v28 =	vadd.f32 v18, v4;
	v18 =	vld [tilespmem:s29+$0x0]  }
0xbe: {  	v17 =	vsub.f32 v1, v17;
	v4 =	vsub.f32 v23, v16;
	v16 =	vld [tilespmem:s29+$0x10]  }
0xbf: {  	v26 =	vmul.f32 v26, v26;
	v23 =	vsub.f32 v24, v6;
	v6 =	vsub.f32 v24, v14;
	v14 =	vld [tilespmem:s29+$0xFFFFFF10]  }
0xc0: {  	v24 =	vsub.f32 v25, v2;
	v2 =	vmul.f32 v17, v17;
	v17 =	vld [tilespmem:s29+$0xFFFFFF90];
	v25 =	vsub.f32 v22, v3  }
0xc1: {  	v3 =	vmul.f32 v15, v15;
	v12 =	vsub.f32 v22, v12;
	v22 =	vsub.f32 v27, v5  }
0xc2: {  	v15 =	vld [tilespmem:s29+$0xFFFFFE80];
	v5 =	vmul.f32 v23, v23;
	v23 =	vsub.f32 v27, v11;
	v27 =	vsub.f32 v18, v7  }
0xc3: {  	v11 =	vld [tilespmem:s29+$0xFFFFFEA0];
	v7 =	vmul.f32 v24, v24;
	v8 =	vsub.f32 v18, v8;
	v9 =	vsub.f32 v16, v9  }
0xc4: {  	v18 =	vld [tilespmem:s29+$0xFFFFFF20];
	v25 =	vmul.f32 v25, v25;
	v10 =	vsub.f32 v16, v10;
	v16 =	vsub.f32 v21, v14  }
0xc5: {  	v24 =	vld [tilespmem:s29+$0xFFFFFFA0];
	v22 =	vmul.f32 v22, v22;
	v23 =	vmul.f32 v23, v23;
	v21 =	vsub.f32 v21, v17  }
0xc6: {  	v29 =	vld [tilespmem:s29+$0xFFFFFFB0];
	v14 =	vsub.f32 v17, v14;
	v27 =	vmul.f32 v27, v27;
	v9 =	vmul.f32 v9, v9  }
0xc7: {  	v17 =	vld [tilespmem:s29+$0xFFFFFEB0];
	v16 =	vmul.f32 v16, v16;
	v19 =	vsub.f32 v15, v19;
	v15 =	vsub.f32 v15, v20  }
0xc8: {  	v8 =	vmul.f32 v8, v8;
	v20 =	vld [tilespmem:s29+$0xFFFFFF30];
	v21 =	vmul.f32 v21, v21;
	v27 =	vadd.f32 v9, v27  }
0xc9: {  	v30 =	vld [tilespmem:s29+$0xFFFFFF40];
	v9 =	vmul.f32 v19, v19;
	v19 =	vsub.f32 v11, v18;
	v15 =	vmul.f32 v15, v15  }
0xca: {  	v14 =	vmul.f32 v14, v14;
	v11 =	vsub.f32 v11, v24;
	v18 =	vsub.f32 v24, v18;
	v24 =	vld [tilespmem:s29+$0xFFFFFEC0]  }
0xcb: {  	v9 =	vadd.f32 v16, v9;
	v16 =	vmul.f32 v10, v10;
	v15 =	vadd.f32 v21, v15;
	v21 =	vld [tilespmem:s29+$0xFFFFFFC0]  }
0xcc: {  	v26 =	vadd.f32 v14, v26;
	v34 =	vadd.f32 v22, v27;
	v14 =	vmul.f32 v19, v19;
	v10 =	vld [tilespmem:s29+$0xFFFFFED0]  }
0xcd: {  	v19 =	vmul.f32 v11, v11;
	v11 =	vld [tilespmem:s29+$0xFFFFFF50];
	v8 =	vadd.f32 v16, v8;
	v16 =	vsub.f32 v17, v20  }
0xce: {  	v17 =	vsub.f32 v17, v29;
	v20 =	vsub.f32 v29, v20;
	v29 =	vmul.f32 v18, v18;
	v18 =	vld [tilespmem:s29+$0xFFFFFFD0]  }
0xcf: {  	v25 =	vadd.f32 v25, v34;
	v31 =	vadd.f32 v14, v9;
	v9 =	vmul.f32 v12, v12;
	v14 =	vld [tilespmem:s29+$0xFFFFFEE0]  }
0xd0: {  	v15 =	vadd.f32 v19, v15;
	v12 =	vld [tilespmem:s29+$0xFFFFFEF0];
	v19 =	vmul.f32 v13, v13;
	v35 =	vsub.f32 v24, v30  }
0xd1: {  	v13 =	vld [tilespmem:s29+$0xFFFFFF70];
	v32 =	vmul.f32 v16, v16;
	v29 =	vadd.f32 v29, v26;
	v33 =	vmul.f32 v17, v17  }
0xd2: {  	v16 =	vld [tilespmem:s29+$0xFFFFFF60];
	v27 =	vmul.f32 v20, v20;
	v20 =	vadd.f32 v23, v8;
	v8 =	vsub.f32 v24, v21  }
0xd3: {  	s26 =	simm.s32 $0x12D20;
	v17 =	vld [tilespmem:s29+$0xFFFFFFE0];
	v26 =	vsub.f32 v21, v30;
	v24 =	vmul.f32 v35, v35;
	v21 =	vadd.f32 v32, v31  }
0xd4: {  	s28 =	simm.s32 $0x0;
	[tilespmem:s26+$0x0] =	vst v28;
	v22 =	vadd.f32 v33, v15;
	v23 =	vadd.f32 v27, v29;
	v15 =	vld [tilespmem:s29+$0xFFFFFFF0];
	s29 =	simm.s32 $0xB100;
	v27 =	vmul.f32 v8, v8  }
.LBB2_5:
0xd5: {  	v8 =	vld [tilespmem:s29+$0x80];
	v26 =	vmul.f32 v26, v26;
	v28 =	vsub.f32 v10, v11;
	v20 =	vadd.f32 v9, v20  }
0xd6: {  	v29 =	vsub.f32 v10, v18;
	v18 =	vsub.f32 v18, v11;
	v6 =	vmul.f32 v6, v6;
	v9 =	vld [tilespmem:s29+$0x100]  }
0xd7: {  	v21 =	vadd.f32 v24, v21;
	v22 =	vadd.f32 v27, v22;
	v10 =	vld [tilespmem:s29+$0x90];
	v24 =	vmul.f32 v28, v28  }
0xd8: {  	s28 =	sadd.s32 $0x2, s28;
	v7 =	vadd.f32 v7, v25;
	v23 =	vadd.f32 v26, v23;
	v26 =	vmul.f32 v29, v29;
	v11 =	vld [tilespmem:s29+$0x110]  }
0xd9: {  	p0 =	slt.u32 s28, $0x3E;
	v27 =	vsub.f32 v14, v16;
	v18 =	vmul.f32 v18, v18;
	v19 =	vadd.f32 v19, v20;
	v25 =	vld [tilespmem:s29+$0xA0]  }
0xda: {  	v4 =	vmul.f32 v4, v4;
	v14 =	vsub.f32 v14, v17;
	v16 =	vsub.f32 v17, v16;
	v20 =	vld [tilespmem:s29+$0x120]  }
0xdb: {  	v21 =	vadd.f32 v24, v21;
	v22 =	vadd.f32 v26, v22;
	v24 =	vmul.f32 v27, v27;
	v17 =	vld [tilespmem:s29+$0xB0]  }
0xdc: {  	v14 =	vmul.f32 v14, v14;
	v5 =	vadd.f32 v5, v7;
	v18 =	vadd.f32 v18, v23;
	v26 =	vld [tilespmem:s29+$0x130]  }
0xdd: {  	v16 =	vmul.f32 v16, v16;
	v7 =	vsub.f32 v9, v8;
	v23 =	vsub.f32 v11, v10;
	v27 =	vld [tilespmem:s29+$0xC0]  }
0xde: {  	v29 =	vsub.f32 v12, v13;
	v6 =	vadd.f32 v6, v19;
	v28 =	vld [tilespmem:s29+$0x140]  }
0xdf: {  	v7 =	vmul.f32 v7, v7;
	v19 =	vmul.f32 v23, v23;
	v23 =	vsub.f32 v20, v25;
	v30 =	vld [tilespmem:s29+$0xD0]  }
0xe0: {  	v12 =	vsub.f32 v12, v15;
	v13 =	vsub.f32 v15, v13;
	v15 =	vmul.f32 v29, v29;
	v31 =	vld [tilespmem:s29+$0x150]  }
0xe1: {  	v7 =	vadd.f32 v19, v7;
	v19 =	vmul.f32 v23, v23;
	v23 =	vsub.f32 v26, v17;
	v29 =	vld [tilespmem:s29+$0xE0]  }
0xe2: {  	v1 =	vsub.f32 v1, v0;
	v21 =	vadd.f32 v24, v21;
	v12 =	vmul.f32 v12, v12;
	v32 =	vld [tilespmem:s29+$0x160]  }
0xe3: {  	v7 =	vadd.f32 v19, v7;
	v19 =	vmul.f32 v23, v23;
	v23 =	vsub.f32 v28, v27;
	v24 =	vld [tilespmem:s29+$0xF0]  }
0xe4: {  	v14 =	vadd.f32 v14, v22;
	v16 =	vadd.f32 v16, v18;
	v13 =	vmul.f32 v13, v13;
	v0 =	vld [tilespmem:s29+$0x170]  }
0xe5: {  	v18 =	vld [tilespmem:s29+$0xFFFFFF00];
	v7 =	vadd.f32 v19, v7;
	v19 =	vmul.f32 v23, v23;
	v22 =	vsub.f32 v31, v30  }
0xe6: {  	v3 =	vadd.f32 v3, v5;
	v5 =	vmul.f32 v1, v1;
	v4 =	vadd.f32 v4, v6;
	v23 =	vld [tilespmem:s29+$0xFFFFFF80]  }
0xe7: {  	v33 =	vld [tilespmem:s29+$0xFFFFFE90];
	v6 =	vadd.f32 v19, v7;
	v7 =	vmul.f32 v22, v22;
	v19 =	vsub.f32 v32, v29  }
0xe8: {  	v15 =	vadd.f32 v15, v21;
	v12 =	vadd.f32 v12, v14;
	v1 =	vld [tilespmem:s29+$0x70]  }
0xe9: {  	v6 =	vadd.f32 v7, v6;
	v7 =	vld [tilespmem:s29+$0x60];
	v14 =	vmul.f32 v19, v19;
	v19 =	vsub.f32 v0, v24  }
0xea: {  	v2 =	vadd.f32 v2, v3;
	v13 =	vadd.f32 v13, v16;
	v21 =	vld [tilespmem:s29+$0x50];
	[tilespmem:s26+$0xFFFFFF60] =	vst v15  }
0xeb: {  	v3 =	vsub.f32 v23, v18;
	v15 =	vld [tilespmem:s29+$0x40];
	v6 =	vadd.f32 v14, v6;
	v14 =	vmul.f32 v19, v19;
	[tilespmem:s26+$0xFFFFFF70] =	vst v12  }
0xec: {  	v5 =	vadd.f32 v5, v4;
	v12 =	vld [tilespmem:s29+$0x30];
	[tilespmem:s26+$0xFFFFFF80] =	vst v13  }
0xed: {  	v13 =	vmul.f32 v3, v3;
	v16 =	vld [tilespmem:s29+$0x20];
	v3 =	vsub.f32 v1, v24;
	v14 =	vadd.f32 v14, v6;
	[tilespmem:s26+$0xFFFFFFE0] =	vst v2  }
0xee: {  	v19 =	vld [tilespmem:s29+$0x0];
	v22 =	vsub.f32 v7, v29;
	v4 =	vsub.f32 v7, v32;
	[tilespmem:s26+$0xFFFFFFF0] =	vst v5;
	s26 =	sadd.s32 $0x100, s26  }
0xef: {  	v24 =	vld [tilespmem:s29+$0x10];
	v5 =	vsub.f32 v21, v30;
	v6 =	vsub.f32 v21, v31;
	v2 =	vmul.f32 v3, v3;
	[tilespmem:s26+$0x0] =	vst v14  }
0xf0: {  	v14 =	vld [tilespmem:s29+$0xFFFFFF10];
	v7 =	vsub.f32 v15, v27;
	v15 =	vsub.f32 v15, v28;
	v3 =	vmul.f32 v22, v22  }
0xf1: {  	v21 =	vld [tilespmem:s29+$0xFFFFFF90];
	v17 =	vsub.f32 v12, v17;
	v12 =	vsub.f32 v12, v26;
	v5 =	vmul.f32 v5, v5  }
0xf2: {  	v22 =	vld [tilespmem:s29+$0xFFFFFE80];
	v25 =	vsub.f32 v16, v25;
	v16 =	vsub.f32 v16, v20;
	v7 =	vmul.f32 v7, v7  }
0xf3: {  	v20 =	vld [tilespmem:s29+$0xFFFFFEA0];
	v8 =	vsub.f32 v19, v8;
	v9 =	vsub.f32 v19, v9;
	v28 =	vmul.f32 v17, v17  }
0xf4: {  	v17 =	vld [tilespmem:s29+$0xFFFFFF20];
	v10 =	vsub.f32 v24, v10;
	v11 =	vsub.f32 v24, v11;
	v19 =	vmul.f32 v25, v25  }
0xf5: {  	v24 =	vsub.f32 v33, v14;
	v25 =	vld [tilespmem:s29+$0xFFFFFFA0];
	v8 =	vmul.f32 v8, v8;
	v9 =	vmul.f32 v9, v9  }
0xf6: {  	v26 =	vsub.f32 v33, v21;
	v14 =	vsub.f32 v21, v14;
	v21 =	vld [tilespmem:s29+$0xFFFFFEB0];
	v10 =	vmul.f32 v10, v10  }
0xf7: {  	v18 =	vsub.f32 v22, v18;
	v22 =	vsub.f32 v22, v23;
	v23 =	vmul.f32 v24, v24;
	v24 =	vld [tilespmem:s29+$0xFFFFFF30]  }
0xf8: {  	v26 =	vmul.f32 v26, v26;
	v14 =	vmul.f32 v14, v14;
	v27 =	vld [tilespmem:s29+$0xFFFFFFB0];
	v8 =	vadd.f32 v10, v8  }
0xf9: {  	v10 =	vmul.f32 v18, v18;
	v18 =	vmul.f32 v22, v22;
	v22 =	vsub.f32 v20, v17;
	v29 =	vld [tilespmem:s29+$0xFFFFFEC0]  }
0xfa: {  	v11 =	vmul.f32 v11, v11;
	v20 =	vsub.f32 v20, v25;
	v17 =	vsub.f32 v25, v17;
	v25 =	vld [tilespmem:s29+$0xFFFFFF40]  }
0xfb: {  	v23 =	vadd.f32 v23, v10;
	v26 =	vadd.f32 v26, v18;
	v22 =	vmul.f32 v22, v22;
	v30 =	vld [tilespmem:s29+$0xFFFFFFC0]  }
0xfc: {  	v13 =	vadd.f32 v14, v13;
	v14 =	vmul.f32 v20, v20;
	v10 =	vld [tilespmem:s29+$0xFFFFFED0];
	v20 =	vadd.f32 v11, v9  }
0xfd: {  	v32 =	vmul.f32 v16, v16;
	v17 =	vmul.f32 v17, v17;
	v31 =	vsub.f32 v21, v24;
	v11 =	vld [tilespmem:s29+$0xFFFFFF50]  }
0xfe: {  	v9 =	vmul.f32 v12, v12;
	v16 =	vsub.f32 v21, v27;
	v21 =	vsub.f32 v27, v24;
	v18 =	vld [tilespmem:s29+$0xFFFFFFD0]  }
0xff: {  	v22 =	vadd.f32 v22, v23;
	v23 =	vadd.f32 v14, v26;
	v24 =	vmul.f32 v31, v31;
	v14 =	vld [tilespmem:s29+$0xFFFFFEE0]  }
.Ltmp1:
0x100: {  	v8 =	vadd.f32 v19, v8;
	v27 =	vadd.f32 v17, v13;
	v13 =	vmul.f32 v16, v16;
	v16 =	vld [tilespmem:s29+$0xFFFFFF60];
	(pc) =	sbr.rel @p0 .LBB2_5-.Ltmp1, $4  }
0x101: {  	v20 =	vadd.f32 v32, v20;
	v31 =	vmul.f32 v21, v21;
	v33 =	vsub.f32 v29, v25;
	v17 =	vld [tilespmem:s29+$0xFFFFFFE0]  }
0x102: {  	v19 =	vmul.f32 v15, v15;
	v29 =	vsub.f32 v29, v30;
	v26 =	vsub.f32 v30, v25;
	v12 =	vld [tilespmem:s29+$0xFFFFFEF0]  }
0x103: {  	v21 =	vadd.f32 v24, v22;
	v22 =	vadd.f32 v13, v23;
	v24 =	vmul.f32 v33, v33;
	v13 =	vld [tilespmem:s29+$0xFFFFFF70]  }
0x104: {  	v25 =	vadd.f32 v28, v8;
	v23 =	vadd.f32 v31, v27;
	v27 =	vmul.f32 v29, v29;
	v15 =	vld [tilespmem:s29+$0xFFFFFFF0];
	s29 =	sadd.s32 $0x300, s29  }
0x105: {  	v8 =	vsub.f32 v10, v11  }
0x106: {  	v9 =	vadd.f32 v9, v20;
	v48 =	vsub.f32 v10, v18  }
0x107: {  	v26 =	vmul.f32 v26, v26;
	v49 =	vsub.f32 v18, v11;
	v50 =	vadd.f32 v24, v21  }
0x108: {  	v6 =	vmul.f32 v6, v6;
	v53 =	vsub.f32 v14, v16;
	v0 =	vsub.f32 v1, v0  }
0x109: {  	v4 =	vmul.f32 v4, v4;
	v51 =	vadd.f32 v27, v22;
	v7 =	vadd.f32 v7, v25  }
0x10a: {  	v54 =	vsub.f32 v14, v17;
	v55 =	vsub.f32 v17, v16;
	v8 =	vmul.f32 v8, v8  }
0x10b: {  	v52 =	vadd.f32 v26, v23;
	v10 =	vmul.f32 v48, v48;
	v9 =	vadd.f32 v19, v9  }
0x10c: {  	v11 =	vmul.f32 v49, v49;
	v5 =	vadd.f32 v5, v7;
	v57 =	vsub.f32 v12, v13  }
0x10d: {  	v56 =	vmul.f32 v53, v53;
	v8 =	vadd.f32 v8, v50;
	v10 =	vadd.f32 v10, v51  }
0x10e: {  	v14 =	vmul.f32 v54, v54;
	v11 =	vadd.f32 v11, v52;
	v6 =	vadd.f32 v6, v9  }
0x10f: {  	v16 =	vmul.f32 v55, v55;
	v58 =	vsub.f32 v12, v15;
	v3 =	vadd.f32 v3, v5  }
0x110: {  	v59 =	vsub.f32 v15, v13;
	v7 =	vmul.f32 v57, v57;
	v8 =	vadd.f32 v56, v8  }
0x111: {  	v9 =	vmul.f32 v58, v58;
	v60 =	vadd.f32 v14, v10;
	v2 =	vadd.f32 v2, v3  }
0x112: {  	v61 =	vadd.f32 v16, v11;
	v62 =	vmul.f32 v59, v59;
	v7 =	vadd.f32 v7, v8  }
0x113: {  	v0 =	vmul.f32 v0, v0;
	v4 =	vadd.f32 v4, v6;
	v1 =	vadd.f32 v9, v60;
	[tilespmem:s26+$0xFFFFFFE0] =	vst v2  }
0x114: {  	v63 =	vadd.f32 v62, v61;
	[tilespmem:s26+$0xFFFFFF60] =	vst v7  }
0x115: {  	v0 =	vadd.f32 v0, v4;
	[tilespmem:s26+$0xFFFFFF70] =	vst v1  }
0x116: {  	s28 =	sshll.u32 s24, $0xB;
	s24 =	sadd.s32 $0x1, s24;
	[tilespmem:s26+$0xFFFFFF80] =	vst v63  }
0x117: {  	s29 =	sadd.s32 s8, s28;
	p0 =	sne.s32 s24, $0x32;
	[tilespmem:s26+$0xFFFFFFF0] =	vst v0  }
0x118: {  	[hbm4b:s29+s3] =	stream.linear.scatter [tilespmem:s20], [sflag:$0x4], $0x2000, $0x38;
	[tilespmem:$0x14C80] =	vst v63  }
.Ltmp2:
0x119: {  	_ = 	snop;
	(pc) =	sbr.rel @p0 .LBB2_2-.Ltmp2, $4  }
0x11a: {  	s30 =	sadd.s32 $0x240, s25  }
0x11b: {  	[tilespmem:s14], [sflag:$0x2] =	stream.indirect.gather [hbm4b:s2+s10], $0x80, s30, s10, $0xb8;
	[tilespmem:$0x14C80] =	vst v63  }
0x11c: {  	s31 =	sadd.s32 $0x2A0, s25  }
0x11d: {  	[tilespmem:s16], [sflag:$0x2] =	stream.indirect.gather [hbm4b:s2+s10], $0x80, s31, s10, $0xb8;
	[tilespmem:$0x14C80] =	vst v63  }
0x11e: {  	_ =	swait.ge [sflag:s17], $0x3000  }
0x11f: {  	[sflag:s17] =	ssyncset.done $0x0  }
0x120: {  	[sflag:s17] =	ssyncadd.s32 $0xFFFFD000  }
0x121: {  	_ =	swait.ge [sflag:s17], $0x3000  }
0x122: {  	[sflag:s17] =	ssyncset.done $0x0  }
0x123: {  	[sflag:s17] =	ssyncadd.s32 $0xFFFFD000  }
0x124: {  	_ =	swait.ge [sflag:s19], $0x3000  }
0x125: {  	[sflag:s19] =	ssyncset.done $0x0  }
0x126: {  	[sflag:s19] =	ssyncadd.s32 $0xFFFFD000  }
0x127: {  	_ =	swait.ge [sflag:s19], $0x3000  }
0x128: {  	[sflag:s19] =	ssyncset.done $0x0  }
0x129: {  	s23 =	sadd.s32 $0x1, s23;
	[sflag:s19] =	ssyncadd.s32 $0xFFFFD000  }
0x12a: {  	p0 =	sne.s32 s23, s7;
	_ =	swait.ge [sflag:s21], $0x2000  }
.Ltmp3:
0x12b: {  	[sflag:s21] =	ssyncset.done $0x0;
	(pc) =	sbr.rel @p0 .LBB2_1-.Ltmp3, $4  }
0x12c: {  	[sflag:s21] =	ssyncadd.s32 $0xFFFFE000  }
0x12d: {  	_ =	swait.ge [sflag:s22], $0x2000  }
0x12e: {  	[sflag:s22] =	ssyncset.done $0x0  }
0x12f: {  	[sflag:s22] =	ssyncadd.s32 $0xFFFFE000  }
0x130: {  	_ =	sfence.sel $0x180000  }
0x131: {  	[bflag:$0x0] =	sbarrier.arrive $0xFFFF  }
0x132: {  	p0 =	sne.s32 s0, $0x0;
	_ =	strace $0x90000047  }
0x133: {  	s0 =	sadd.s32 @!p0 $0x100000, s1;
	[bflag:$0x2] =	sbarrier.arrive $0xFFFF  }
0x134: {  	[sflag:s0] =	ssyncadd.tile.s32 @!p0 $0x1;
	_ =	shalt  }
.Lfunc_end2:
_tile_overlayer_lowered:
.L_overlay_start_2:
0x135: {  	(tag) =	ssettag $0x2  }
0x136: {  	s0 =	rddreg [dreg:$0x0];
	s2 =	stileid.u32  }
0x137: {  	s1 =	rddreg [dreg:$0x1];
	p0 =	sne.s32 s2, $0x0  }
0x138: {  	s3 =	rddreg [dreg:$0x2];
	[bflag:$0x3] =	sbarrier.arrive $0xFFFF;
	s2 =	simm.s32 @!p0 $0x1C05  }
0x139: {  	[timem:s3], [sflag:s2] =	dma.local @!p0 [hbm:s0], s1  }
0x13a: {  	s0 =	simm.s32 @!p0 $0x5  }
0x13b: {  	_ =	swait.ge @!p0 [sflag:s0], s1  }
0x13c: {  	s1 =	ssub.s32 @!p0 $0x0, s1;
	[sflag:s0] =	ssyncset.done @!p0 $0x0  }
0x13d: {  	[sflag:s0] =	ssyncadd.s32 @!p0 s1  }
0x13e: {  	[bflag:$0x3] =	sbarrier.arrive $0xFFFF  }
0x13f: {  	_ =	shalt  }

</sc_bundles>
